<compile_context>
chip_gen: v7x
topology: tpu7x:2x2x1
jax: 0.10.2.dev20260603
libtpu: 0.0.44.dev20260713+nightly
codegen_flags: <defaults>
</compile_context>

<pallas_src>
import functools

import jax
import jax.numpy as jnp
from jax import lax
from jax.experimental import pallas as pl
from jax.experimental.pallas import tpu as pltpu
from jax.experimental.pallas import tpu_sc as plsc

N = 10000
NP2 = N // 2
F0 = 128
H = 64
E = 320000
EPS = 1e-5
SLOPE = 0.01

NC = 2
NS = 16
NW = NC * NS
CHUNK = 125
NCH = E // (NW * CHUNK)
RPT = N // NS
DEG_R = 640
BR = 1000
NBLK = NP2 // BR
BPW = 1024 // NW


def _sc_mesh():
    return plsc.VectorSubcoreMesh(
        core_axis_name="c", subcore_axis_name="s", num_cores=NC, num_subcores=NS
    )


_SC_PARAMS = pltpu.CompilerParams(use_tc_tiling_on_sc=False)




def _deg_body(dst_hbm, out_hbm, dstv, onesv, zv, deg_sp):
    c = lax.axis_index("c")
    s = lax.axis_index("s")
    w = c * NS + s
    for k in range(128 // 16):
        onesv[pl.ds(k * 16, 16)] = jnp.ones((16,), jnp.float32)

    def zbody(k, _):
        zv[pl.ds(k * 16, 16)] = jnp.zeros((16,), jnp.float32)
        return 0

    lax.fori_loop(0, DEG_R // 16, zbody, 0)
    pltpu.sync_copy(zv, deg_sp.at[pl.ds(s * DEG_R, DEG_R)])
    pltpu.sync_copy(dst_hbm.at[w], dstv)
    plsc.subcore_barrier()

    def body(j, _):
        pltpu.sync_copy(
            onesv.at[pl.ds(0, CHUNK)], deg_sp.at[dstv.at[j]], add=True
        )
        return 0

    lax.fori_loop(0, NCH, body, 0)
    plsc.subcore_barrier()
    pltpu.sync_copy(deg_sp.at[pl.ds(s * DEG_R, DEG_R)], zv)
    pltpu.sync_copy(zv, out_hbm.at[c, s])


def _deg_call(dstp):
    f = functools.partial(
        pl.kernel,
        out_type=jax.ShapeDtypeStruct((NC, NS, DEG_R), jnp.float32),
        mesh=_sc_mesh(),
        scratch_types=[
            pltpu.VMEM((NCH, CHUNK), jnp.int32),
            pltpu.VMEM((128,), jnp.float32),
            pltpu.VMEM((DEG_R,), jnp.float32),
            pltpu.VMEM_SHARED((NS * DEG_R,), jnp.float32),
        ],
        compiler_params=_SC_PARAMS,
        name="gcn_deg",
    )(_deg_body)
    return f(dstp)


def _mp_body(y_hbm, src_hbm, dst_hbm, zero_hbm, out_hbm,
             srcv, dstv, rows_a, rows_b, acc_sp,
             sem_ga, sem_gb, sem_sa, sem_sb):
    c = lax.axis_index("c")
    s = lax.axis_index("s")
    w = c * NS + s
    r0 = s * RPT
    pltpu.sync_copy(zero_hbm.at[pl.ds(r0, RPT)], acc_sp.at[pl.ds(r0, RPT)])
    pltpu.sync_copy(src_hbm.at[w], srcv)
    pltpu.sync_copy(dst_hbm.at[w], dstv)
    plsc.subcore_barrier()

    def gather(j, rows, sem):
        return pltpu.async_copy(y_hbm.at[srcv.at[j]], rows, sem)

    def gwait(j, rows, sem):
        pltpu.make_async_copy(y_hbm.at[srcv.at[j]], rows, sem).wait()

    def scatter(j, rows, sem):
        return pltpu.async_copy(rows, acc_sp.at[dstv.at[j]], sem, add=True)

    def swait(j, rows, sem):
        pltpu.make_async_copy(rows, acc_sp.at[dstv.at[j]], sem).wait()

    gather(0, rows_a, sem_ga)
    gather(1, rows_b, sem_gb)

    def body(k, _):
        j0 = 2 * k
        gwait(j0, rows_a, sem_ga)
        scatter(j0, rows_a, sem_sa)
        gwait(j0 + 1, rows_b, sem_gb)
        scatter(j0 + 1, rows_b, sem_sb)
        swait(j0, rows_a, sem_sa)
        gather(j0 + 2, rows_a, sem_ga)
        swait(j0 + 1, rows_b, sem_sb)
        gather(j0 + 3, rows_b, sem_gb)
        return 0

    lax.fori_loop(0, NCH // 2 - 1, body, 0)
    jl = NCH - 2
    gwait(jl, rows_a, sem_ga)
    scatter(jl, rows_a, sem_sa)
    gwait(jl + 1, rows_b, sem_gb)
    scatter(jl + 1, rows_b, sem_sb)
    swait(jl, rows_a, sem_sa)
    swait(jl + 1, rows_b, sem_sb)

    plsc.subcore_barrier()
    pltpu.sync_copy(acc_sp.at[pl.ds(r0, RPT)], out_hbm.at[c, pl.ds(r0, RPT)])


def _mp_call(y, srcp, dstp, zeros2d):
    f = functools.partial(
        pl.kernel,
        out_type=jax.ShapeDtypeStruct((NC, N, H), jnp.float32),
        mesh=_sc_mesh(),
        scratch_types=[
            pltpu.VMEM((NCH, CHUNK), jnp.int32),
            pltpu.VMEM((NCH, CHUNK), jnp.int32),
            pltpu.VMEM((CHUNK, H), jnp.float32),
            pltpu.VMEM((CHUNK, H), jnp.float32),
            pltpu.VMEM_SHARED((N, H), jnp.float32),
            pltpu.SemaphoreType.DMA,
            pltpu.SemaphoreType.DMA,
            pltpu.SemaphoreType.DMA,
            pltpu.SemaphoreType.DMA,
        ],
        compiler_params=_SC_PARAMS,
        name="gcn_msg_pass",
    )(_mp_body)
    return f(y, srcp, dstp, zeros2d)


def _sel_body(t_hbm, idx_hbm, out_hbm, idxv, rows, sem):
    c = lax.axis_index("c")
    s = lax.axis_index("s")
    w = c * NS + s
    base = w * BPW
    pltpu.sync_copy(idx_hbm.at[pl.ds(base, BPW)], idxv)
    pltpu.async_copy(t_hbm.at[idxv], rows, sem).wait()
    pltpu.sync_copy(rows, out_hbm.at[pl.ds(base, BPW)])


def _sel_call(t, idx):
    f = functools.partial(
        pl.kernel,
        out_type=jax.ShapeDtypeStruct((1024, H), jnp.float32),
        mesh=_sc_mesh(),
        scratch_types=[
            pltpu.VMEM((BPW,), jnp.int32),
            pltpu.VMEM((BPW, H), jnp.float32),
            pltpu.SemaphoreType.DMA,
        ],
        compiler_params=_SC_PARAMS,
        name="gcn_select",
    )(_sel_body)
    return f(t, idx)




def _ds_of(dd_ref):
    deg = dd_ref[0] + dd_ref[1] + 1.0
    dinv = lax.rsqrt(deg)
    lane = lax.broadcasted_iota(jnp.int32, (1, F0), 1)
    return jnp.where(lane < H, dinv[:, 0:1], dinv[:, 1:2])


def _ab_body(x_ref, w2_ref, dd_ref, y0_ref):
    xw = jnp.dot(x_ref[...], w2_ref[...], preferred_element_type=jnp.float32)
    y0_ref[...] = xw * _ds_of(dd_ref)


def _ab_call(x2, W02, dd):
    return pl.pallas_call(
        _ab_body,
        grid=(NBLK,),
        in_specs=[
            pl.BlockSpec((BR, 2 * F0), lambda i: (i, 0)),
            pl.BlockSpec((2 * F0, F0), lambda i: (0, 0)),
            pl.BlockSpec((2, BR, 2), lambda i: (0, i, 0)),
        ],
        out_specs=pl.BlockSpec((BR, F0), lambda i: (i, 0)),
        out_shape=jax.ShapeDtypeStruct((NP2, F0), jnp.float32),
        name="gcn_xw_dinv",
    )(x2, W02, dd)


def _post_body(s0_ref, s1_ref, y_ref, dd_ref, b2_ref, t_ref, st_ref):
    i = pl.program_id(0)
    tot = (s0_ref[...] + s1_ref[...] + y_ref[...]) * _ds_of(dd_ref) + b2_ref[...]
    t = jnp.where(tot > 0, tot, SLOPE * tot)
    t_ref[...] = t
    s1 = jnp.sum(t, axis=0, keepdims=True)
    s2 = jnp.sum(t * t, axis=0, keepdims=True)
    st = jnp.concatenate([s1, s2, jnp.zeros((6, F0), jnp.float32)], axis=0)

    @pl.when(i == 0)
    def _():
        st_ref[...] = st

    @pl.when(i != 0)
    def _():
        st_ref[...] += st


def _post_call(scat0, scat1, y, dd, b2):
    return pl.pallas_call(
        _post_body,
        grid=(NBLK,),
        in_specs=[
            pl.BlockSpec((BR, F0), lambda i: (i, 0)),
            pl.BlockSpec((BR, F0), lambda i: (i, 0)),
            pl.BlockSpec((BR, F0), lambda i: (i, 0)),
            pl.BlockSpec((2, BR, 2), lambda i: (0, i, 0)),
            pl.BlockSpec((1, F0), lambda i: (0, 0)),
        ],
        out_specs=[
            pl.BlockSpec((BR, F0), lambda i: (i, 0)),
            pl.BlockSpec((8, F0), lambda i: (0, 0)),
        ],
        out_shape=[
            jax.ShapeDtypeStruct((NP2, F0), jnp.float32),
            jax.ShapeDtypeStruct((8, F0), jnp.float32),
        ],
        name="gcn_post_stats",
    )(scat0, scat1, y, dd, b2)


def _bn_affine(st_ref, g2_ref, be2_ref):
    s1 = st_ref[0:1, :]
    s2 = st_ref[1:2, :]
    m64 = (s1[:, :H] + s1[:, H:]) / float(N)
    q64 = (s2[:, :H] + s2[:, H:]) / float(N)
    var64 = q64 - m64 * m64
    mean2 = jnp.concatenate([m64, m64], axis=1)
    var2 = jnp.concatenate([var64, var64], axis=1)
    alpha2 = g2_ref[...] * lax.rsqrt(var2 + EPS)
    return mean2, alpha2, be2_ref[...]


def _bn_mm_body(t_ref, st_ref, g2_ref, be2_ref, w12_ref, dd_ref, y1_ref):
    mean2, alpha2, be2 = _bn_affine(st_ref, g2_ref, be2_ref)
    h = (t_ref[...] - mean2) * alpha2 + be2
    y1 = jnp.dot(h, w12_ref[...], preferred_element_type=jnp.float32)
    y1_ref[...] = y1 * _ds_of(dd_ref)


def _bn_mm_call(t0, st0, g2, be2, W12, dd):
    return pl.pallas_call(
        _bn_mm_body,
        grid=(NBLK,),
        in_specs=[
            pl.BlockSpec((BR, F0), lambda i: (i, 0)),
            pl.BlockSpec((8, F0), lambda i: (0, 0)),
            pl.BlockSpec((1, F0), lambda i: (0, 0)),
            pl.BlockSpec((1, F0), lambda i: (0, 0)),
            pl.BlockSpec((F0, F0), lambda i: (0, 0)),
            pl.BlockSpec((2, BR, 2), lambda i: (0, i, 0)),
        ],
        out_specs=pl.BlockSpec((BR, F0), lambda i: (i, 0)),
        out_shape=jax.ShapeDtypeStruct((NP2, F0), jnp.float32),
        name="gcn_bn_mm",
    )(t0, st0, g2, be2, W12, dd)


def _head_body(tsel_ref, st_ref, g2_ref, be2_ref, wm2_ref, bm2_ref,
               h_ref, o_ref):
    mean2, alpha2, be2 = _bn_affine(st_ref, g2_ref, be2_ref)
    h = (tsel_ref[...] - mean2) * alpha2 + be2
    h_ref[...] = h
    z = jnp.dot(h, wm2_ref[...], preferred_element_type=jnp.float32)
    o_ref[...] = jax.nn.sigmoid(z + bm2_ref[...])


def _head_call(tsel2, st1, g2, be2, Wm2, bm2):
    return pl.pallas_call(
        _head_body,
        grid=(1,),
        in_specs=[
            pl.BlockSpec((512, F0), lambda i: (0, 0)),
            pl.BlockSpec((8, F0), lambda i: (0, 0)),
            pl.BlockSpec((1, F0), lambda i: (0, 0)),
            pl.BlockSpec((1, F0), lambda i: (0, 0)),
            pl.BlockSpec((F0, F0), lambda i: (0, 0)),
            pl.BlockSpec((1, F0), lambda i: (0, 0)),
        ],
        out_specs=[
            pl.BlockSpec((512, F0), lambda i: (0, 0)),
            pl.BlockSpec((512, F0), lambda i: (0, 0)),
        ],
        out_shape=[
            jax.ShapeDtypeStruct((512, F0), jnp.float32),
            jax.ShapeDtypeStruct((512, F0), jnp.float32),
        ],
        name="gcn_head",
    )(tsel2, st1, g2, be2, Wm2, bm2)




def _blockdiag(W):
    k, m = W.shape
    z = jnp.zeros((k, m), W.dtype)
    return jnp.concatenate(
        [jnp.concatenate([W, z], axis=1), jnp.concatenate([z, W], axis=1)],
        axis=0,
    )


def _dup(v):
    return jnp.concatenate([v, v]).reshape(1, 2 * v.shape[0])


def kernel(x, edge_index, idx, W0, b0, g0, be0, W1, b1, g1, be1, Wm, bm):
    x2 = x.reshape(NP2, 2 * F0)
    srcp = edge_index[0].reshape(NW, NCH, CHUNK)
    dstp = edge_index[1].reshape(NW, NCH, CHUNK)
    zeros2d = jnp.zeros((N, H), jnp.float32)

    degp = _deg_call(dstp)
    dd = degp.reshape(NC, NS * DEG_R)[:, :N].reshape(NC, NP2, 2)

    W02 = _blockdiag(W0)
    y0 = _ab_call(x2, W02, dd)
    scat0 = _mp_call(y0.reshape(N, H), srcp, dstp, zeros2d)
    s2v = scat0.reshape(NC, NP2, F0)
    t0, st0 = _post_call(s2v[0], s2v[1], y0, dd, _dup(b0))
    y1 = _bn_mm_call(t0, st0, _dup(g0), _dup(be0), _blockdiag(W1), dd)
    scat1 = _mp_call(y1.reshape(N, H), srcp, dstp, zeros2d)
    s2v1 = scat1.reshape(NC, NP2, F0)
    t1, st1 = _post_call(s2v1[0], s2v1[1], y1, dd, _dup(b1))

    tsel = _sel_call(t1.reshape(N, H), idx)
    nm = Wm.shape[1]
    Wm2 = jnp.pad(_blockdiag(Wm), ((0, 0), (0, F0 - 2 * nm)))
    bm2 = jnp.pad(jnp.concatenate([bm, bm]), (0, F0 - 2 * nm)).reshape(1, F0)
    h2, o2 = _head_call(tsel.reshape(512, F0), st1, _dup(g1), _dup(be1),
                        Wm2, bm2)
    h = h2.reshape(1024, H)
    o = o2[:, : 2 * nm].reshape(1024, nm)
    return (h, o)

# --- scband reference (transcript-rebuilt; emitter-appended) ---
"""Pipeline reference for scband-my-out-gcn-687194767719 (READ-ONLY COPY).

The authoritative reference and input builder live on the scoring server;
editing this copy changes nothing except your own understanding.
"""

import jax, jax.numpy as jnp
import numpy as np

N = 10000
E = 320000
EPS = 1e-5
NEG_SLOPE = 0.01


def gcn_conv(x, edge_index, W, b):
    n = x.shape[0]
    src = edge_index[0]
    dst = edge_index[1]
    loop = jnp.arange(n, dtype=src.dtype)
    src = jnp.concatenate([src, loop])
    dst = jnp.concatenate([dst, loop])
    xw = x @ W
    deg = jnp.zeros((n,), dtype=x.dtype).at[dst].add(1.0)
    dinv = jnp.where(deg > 0, deg ** -0.5, 0.0)
    norm = dinv[src] * dinv[dst]
    msg = xw[src] * norm[:, None]
    out = jnp.zeros((n, W.shape[1]), dtype=x.dtype).at[dst].add(msg)
    return out + b


def batch_norm(h, gamma, beta):
    mean = jnp.mean(h, axis=0)
    var = jnp.var(h, axis=0)
    return (h - mean) / jnp.sqrt(var + EPS) * gamma + beta


def leaky_relu(h):
    return jnp.where(h > 0, h, NEG_SLOPE * h)


def setup_inputs(seed: int = 0):
    key = jax.random.key(seed)
    ks = jax.random.split(key, 14)
    x = jax.random.normal(ks[0], (N, 128), dtype=jnp.float32)
    edge_index = jax.random.randint(ks[1], (2, E), 0, N, dtype=jnp.int32)
    idx = jax.random.randint(ks[2], (1024,), 0, N, dtype=jnp.int32)
    W0 = jax.random.normal(ks[3], (128, 64), dtype=jnp.float32) * 0.05
    b0 = jnp.zeros((64,), dtype=jnp.float32)
    g0 = jnp.ones((64,), dtype=jnp.float32)
    be0 = jnp.zeros((64,), dtype=jnp.float32)
    W1 = jax.random.normal(ks[4], (64, 64), dtype=jnp.float32) * 0.05
    b1 = jnp.zeros((64,), dtype=jnp.float32)
    g1 = jnp.ones((64,), dtype=jnp.float32)
    be1 = jnp.zeros((64,), dtype=jnp.float32)
    Wm = jax.random.normal(ks[5], (64, 5), dtype=jnp.float32) * 0.05
    bm = jnp.zeros((5,), dtype=jnp.float32)
    return {"x": x, "edge_index": edge_index, "idx": idx, "W0": W0, "b0": b0, "g0": g0, "be0": be0, "W1": W1, "b1": b1, "g1": g1, "be1": be1, "Wm": Wm, "bm": bm}


def reference(x, edge_index, idx, W0, b0, g0, be0, W1, b1, g1, be1, Wm, bm):
    h = leaky_relu(gcn_conv(x, edge_index, W0, b0))
    h = batch_norm(h, g0, be0)
    h = leaky_relu(gcn_conv(h, edge_index, W1, b1))
    h = batch_norm(h, g1, be1)
    h = jnp.take(h, idx, axis=0)
    out = jax.nn.sigmoid(h @ Wm + bm)
    return (h, out)

if __name__ == "__main__":
    import jax
    _d = setup_inputs()
    print(jax.jit(kernel)(*tuple(_d.values())))

</pallas_src>

<mosaic_0001>
#map = affine_map<(d0, d1) -> (0, 0)>
#map1 = affine_map<(d0, d1) -> (0, 0, 0)>
module attributes {stable_mosaic.version = 14 : i64} {
  func.func @gcn_msg_pass(%arg0: i32, %arg1: i32, %arg2: memref<10000x64xf32, #tpu.memory_space<hbm>>, %arg3: memref<32x80x125xi32, #tpu.memory_space<hbm>>, %arg4: memref<32x80x125xi32, #tpu.memory_space<hbm>>, %arg5: memref<10000x64xf32, #tpu.memory_space<hbm>>, %arg6: memref<2x10000x64xf32, #tpu.memory_space<hbm>>, %arg7: memref<80x125xi32, #tpu.memory_space<vmem>>, %arg8: memref<80x125xi32, #tpu.memory_space<vmem>>, %arg9: memref<125x64xf32, #tpu.memory_space<vmem>>, %arg10: memref<125x64xf32, #tpu.memory_space<vmem>>, %arg11: memref<10000x64xf32, #tpu.memory_space<vmem_shared>>, %arg12: memref<!tpu.dma_semaphore, #tpu.memory_space<semaphore_mem>>, %arg13: memref<!tpu.dma_semaphore, #tpu.memory_space<semaphore_mem>>, %arg14: memref<!tpu.dma_semaphore, #tpu.memory_space<semaphore_mem>>, %arg15: memref<!tpu.dma_semaphore, #tpu.memory_space<semaphore_mem>>) attributes {dimension_semantics = [#tpu.dimension_semantics<core_parallel>, #tpu.dimension_semantics<subcore_parallel>], iteration_bounds = array<i64: 2, 16>, scalar_prefetch = 0 : i64, scratch_operands = 9 : i64, tpu.core_type = #tpu.core_type<sc_vector_subcore>, window_params = [{transform_indices = #map}, {transform_indices = #map1}, {transform_indices = #map1}, {transform_indices = #map}, {transform_indices = #map1}]} {
    %mul3A = arith.constant 16 : i32
    %mul3A_0 = arith.muli %arg0, %mul3A : i32
    %add3A = arith.addi %mul3A_0, %arg1 : i32
    %mul3A_1 = arith.constant 625 : i32
    %mul3A_2 = arith.muli %arg1, %mul3A_1 : i32
    "tpu.region"() ({
      %run_scoped3A = tpu.sem_alloc : memref<!tpu.dma_semaphore, #tpu.memory_space<semaphore_mem>>
      %dma_start3A_64 = arith.constant 0 : i32
      %dma_start3A_65 = tpu.memref_slice %arg11[%mul3A_2, %dma_start3A_64] : memref<10000x64xf32, #tpu.memory_space<vmem_shared>> -> memref<625x64xf32, #tpu.memory_space<vmem_shared>>
      %dma_start3A_66 = arith.constant 0 : i32
      %dma_start3A_67 = tpu.memref_slice %arg5[%mul3A_2, %dma_start3A_66] : memref<10000x64xf32, #tpu.memory_space<hbm>> -> memref<625x64xf32, #tpu.memory_space<hbm>>
      tpu.enqueue_dma source(%dma_start3A_67 : memref<625x64xf32, #tpu.memory_space<hbm>>) target(%dma_start3A_65 : memref<625x64xf32, #tpu.memory_space<vmem_shared>>) target_semaphore(%run_scoped3A : memref<!tpu.dma_semaphore, #tpu.memory_space<semaphore_mem>>)
      %dma_wait3A_68 = arith.constant 0 : i32
      %dma_wait3A_69 = tpu.memref_slice %arg11[%mul3A_2, %dma_wait3A_68] : memref<10000x64xf32, #tpu.memory_space<vmem_shared>> -> memref<625x64xf32, #tpu.memory_space<vmem_shared>>
      %dma_wait3A_70 = arith.constant 0 : i32
      %dma_wait3A_71 = tpu.memref_slice %arg5[%mul3A_2, %dma_wait3A_70] : memref<10000x64xf32, #tpu.memory_space<hbm>> -> memref<625x64xf32, #tpu.memory_space<hbm>>
      tpu.wait_dma2 semaphore(%run_scoped3A : memref<!tpu.dma_semaphore, #tpu.memory_space<semaphore_mem>>) src(%dma_wait3A_71 : memref<625x64xf32, #tpu.memory_space<hbm>>) dst(%dma_wait3A_69 : memref<625x64xf32, #tpu.memory_space<vmem_shared>>)
      tpu.yield
    }) : () -> ()
    "tpu.region"() ({
      %run_scoped3A = tpu.sem_alloc : memref<!tpu.dma_semaphore, #tpu.memory_space<semaphore_mem>>
      %dma_start3A_64 = arith.constant 0 : i32
      %dma_start3A_65 = arith.constant 0 : i32
      %dma_start3A_66 = tpu.memref_slice %arg3[%add3A, %dma_start3A_64, %dma_start3A_65] : memref<32x80x125xi32, #tpu.memory_space<hbm>> -> memref<1x80x125xi32, #tpu.memory_space<hbm>>
      %dma_start3A_67 = tpu.memref_squeeze %dma_start3A_66 : memref<1x80x125xi32, #tpu.memory_space<hbm>> -> memref<80x125xi32, #tpu.memory_space<hbm>>
      %dma_start3A_68 = arith.constant 0 : i32
      %dma_start3A_69 = arith.constant 0 : i32
      %dma_start3A_70 = tpu.memref_slice %arg3[%add3A, %dma_start3A_68, %dma_start3A_69] : memref<32x80x125xi32, #tpu.memory_space<hbm>> -> memref<1x80x125xi32, #tpu.memory_space<hbm>>
      %dma_start3A_71 = tpu.memref_squeeze %dma_start3A_70 : memref<1x80x125xi32, #tpu.memory_space<hbm>> -> memref<80x125xi32, #tpu.memory_space<hbm>>
      tpu.enqueue_dma source(%dma_start3A_71 : memref<80x125xi32, #tpu.memory_space<hbm>>) target(%arg7 : memref<80x125xi32, #tpu.memory_space<vmem>>) target_semaphore(%run_scoped3A : memref<!tpu.dma_semaphore, #tpu.memory_space<semaphore_mem>>)
      %dma_wait3A_72 = arith.constant 0 : i32
      %dma_wait3A_73 = arith.constant 0 : i32
      %dma_wait3A_74 = tpu.memref_slice %arg3[%add3A, %dma_wait3A_72, %dma_wait3A_73] : memref<32x80x125xi32, #tpu.memory_space<hbm>> -> memref<1x80x125xi32, #tpu.memory_space<hbm>>
      %dma_wait3A_75 = tpu.memref_squeeze %dma_wait3A_74 : memref<1x80x125xi32, #tpu.memory_space<hbm>> -> memref<80x125xi32, #tpu.memory_space<hbm>>
      %dma_wait3A_76 = arith.constant 0 : i32
      %dma_wait3A_77 = arith.constant 0 : i32
      %dma_wait3A_78 = tpu.memref_slice %arg3[%add3A, %dma_wait3A_76, %dma_wait3A_77] : memref<32x80x125xi32, #tpu.memory_space<hbm>> -> memref<1x80x125xi32, #tpu.memory_space<hbm>>
      %dma_wait3A_79 = tpu.memref_squeeze %dma_wait3A_78 : memref<1x80x125xi32, #tpu.memory_space<hbm>> -> memref<80x125xi32, #tpu.memory_space<hbm>>
      tpu.wait_dma2 semaphore(%run_scoped3A : memref<!tpu.dma_semaphore, #tpu.memory_space<semaphore_mem>>) src(%dma_wait3A_79 : memref<80x125xi32, #tpu.memory_space<hbm>>) dst(%arg7 : memref<80x125xi32, #tpu.memory_space<vmem>>)
      tpu.yield
    }) : () -> ()
    "tpu.region"() ({
      %run_scoped3A = tpu.sem_alloc : memref<!tpu.dma_semaphore, #tpu.memory_space<semaphore_mem>>
      %dma_start3A_64 = arith.constant 0 : i32
      %dma_start3A_65 = arith.constant 0 : i32
      %dma_start3A_66 = tpu.memref_slice %arg4[%add3A, %dma_start3A_64, %dma_start3A_65] : memref<32x80x125xi32, #tpu.memory_space<hbm>> -> memref<1x80x125xi32, #tpu.memory_space<hbm>>
      %dma_start3A_67 = tpu.memref_squeeze %dma_start3A_66 : memref<1x80x125xi32, #tpu.memory_space<hbm>> -> memref<80x125xi32, #tpu.memory_space<hbm>>
      %dma_start3A_68 = arith.constant 0 : i32
      %dma_start3A_69 = arith.constant 0 : i32
      %dma_start3A_70 = tpu.memref_slice %arg4[%add3A, %dma_start3A_68, %dma_start3A_69] : memref<32x80x125xi32, #tpu.memory_space<hbm>> -> memref<1x80x125xi32, #tpu.memory_space<hbm>>
      %dma_start3A_71 = tpu.memref_squeeze %dma_start3A_70 : memref<1x80x125xi32, #tpu.memory_space<hbm>> -> memref<80x125xi32, #tpu.memory_space<hbm>>
      tpu.enqueue_dma source(%dma_start3A_71 : memref<80x125xi32, #tpu.memory_space<hbm>>) target(%arg8 : memref<80x125xi32, #tpu.memory_space<vmem>>) target_semaphore(%run_scoped3A : memref<!tpu.dma_semaphore, #tpu.memory_space<semaphore_mem>>)
      %dma_wait3A_72 = arith.constant 0 : i32
      %dma_wait3A_73 = arith.constant 0 : i32
      %dma_wait3A_74 = tpu.memref_slice %arg4[%add3A, %dma_wait3A_72, %dma_wait3A_73] : memref<32x80x125xi32, #tpu.memory_space<hbm>> -> memref<1x80x125xi32, #tpu.memory_space<hbm>>
      %dma_wait3A_75 = tpu.memref_squeeze %dma_wait3A_74 : memref<1x80x125xi32, #tpu.memory_space<hbm>> -> memref<80x125xi32, #tpu.memory_space<hbm>>
      %dma_wait3A_76 = arith.constant 0 : i32
      %dma_wait3A_77 = arith.constant 0 : i32
      %dma_wait3A_78 = tpu.memref_slice %arg4[%add3A, %dma_wait3A_76, %dma_wait3A_77] : memref<32x80x125xi32, #tpu.memory_space<hbm>> -> memref<1x80x125xi32, #tpu.memory_space<hbm>>
      %dma_wait3A_79 = tpu.memref_squeeze %dma_wait3A_78 : memref<1x80x125xi32, #tpu.memory_space<hbm>> -> memref<80x125xi32, #tpu.memory_space<hbm>>
      tpu.wait_dma2 semaphore(%run_scoped3A : memref<!tpu.dma_semaphore, #tpu.memory_space<semaphore_mem>>) src(%dma_wait3A_79 : memref<80x125xi32, #tpu.memory_space<hbm>>) dst(%arg8 : memref<80x125xi32, #tpu.memory_space<vmem>>)
      tpu.yield
    }) : () -> ()
    %barrier3A = arith.constant 0 : index
    tpu.barrier barrier_id(%barrier3A)
    %dma_start3A = arith.constant 0 : i32
    %dma_start3A_3 = arith.constant 0 : i32
    %dma_start3A_4 = tpu.memref_slice %arg7[%dma_start3A, %dma_start3A_3] : memref<80x125xi32, #tpu.memory_space<vmem>> -> memref<1x125xi32, #tpu.memory_space<vmem>>
    %dma_start3A_5 = tpu.memref_squeeze %dma_start3A_4 : memref<1x125xi32, #tpu.memory_space<vmem>> -> memref<125xi32, #tpu.memory_space<vmem>>
    %dma_start3A_6 = arith.constant 0 : i32
    %dma_start3A_7 = arith.constant 0 : i32
    %dma_start3A_8 = tpu.memref_slice %arg2[%dma_start3A_6, %dma_start3A_7] : memref<10000x64xf32, #tpu.memory_space<hbm>> -> memref<10000x64xf32, #tpu.memory_space<hbm>>
    tpu.enqueue_indirect_dma source(%dma_start3A_8 : memref<10000x64xf32, #tpu.memory_space<hbm>>) target(%arg9 : memref<125x64xf32, #tpu.memory_space<vmem>>) offsets(%dma_start3A_5 : memref<125xi32, #tpu.memory_space<vmem>>) semaphore(%arg12 : memref<!tpu.dma_semaphore, #tpu.memory_space<semaphore_mem>>)
    %dma_start3A_9 = arith.constant 1 : i32
    %dma_start3A_10 = arith.constant 0 : i32
    %dma_start3A_11 = tpu.memref_slice %arg7[%dma_start3A_9, %dma_start3A_10] : memref<80x125xi32, #tpu.memory_space<vmem>> -> memref<1x125xi32, #tpu.memory_space<vmem>>
    %dma_start3A_12 = tpu.memref_squeeze %dma_start3A_11 : memref<1x125xi32, #tpu.memory_space<vmem>> -> memref<125xi32, #tpu.memory_space<vmem>>
    %dma_start3A_13 = arith.constant 0 : i32
    %dma_start3A_14 = arith.constant 0 : i32
    %dma_start3A_15 = tpu.memref_slice %arg2[%dma_start3A_13, %dma_start3A_14] : memref<10000x64xf32, #tpu.memory_space<hbm>> -> memref<10000x64xf32, #tpu.memory_space<hbm>>
    tpu.enqueue_indirect_dma source(%dma_start3A_15 : memref<10000x64xf32, #tpu.memory_space<hbm>>) target(%arg10 : memref<125x64xf32, #tpu.memory_space<vmem>>) offsets(%dma_start3A_12 : memref<125xi32, #tpu.memory_space<vmem>>) semaphore(%arg13 : memref<!tpu.dma_semaphore, #tpu.memory_space<semaphore_mem>>)
    %scan3A = arith.constant 0 : i32
    %scan3A_16 = arith.constant 0 : i32
    %scan3A_17 = arith.constant 39 : i32
    %scan3A_18 = arith.addi %scan3A_16, %scan3A_17 : i32
    %scan3A_19 = arith.constant 1 : i32
    %scan3A_20 = scf.for %scan3A_64 = %scan3A_16 to %scan3A_18 step %scan3A_19 iter_args(%scan3A_65 = %scan3A) -> (i32)  : i32 {
      %mul3A_66 = arith.constant 2 : i32
      %mul3A_67 = arith.muli %mul3A_66, %scan3A_64 : i32
      %dma_wait3A_68 = arith.constant 0 : i32
      %dma_wait3A_69 = tpu.memref_slice %arg7[%mul3A_67, %dma_wait3A_68] : memref<80x125xi32, #tpu.memory_space<vmem>> -> memref<1x125xi32, #tpu.memory_space<vmem>>
      %dma_wait3A_70 = tpu.memref_squeeze %dma_wait3A_69 : memref<1x125xi32, #tpu.memory_space<vmem>> -> memref<125xi32, #tpu.memory_space<vmem>>
      %dma_wait3A_71 = arith.constant 0 : i32
      %dma_wait3A_72 = arith.constant 0 : i32
      %dma_wait3A_73 = tpu.memref_slice %arg2[%dma_wait3A_71, %dma_wait3A_72] : memref<10000x64xf32, #tpu.memory_space<hbm>> -> memref<10000x64xf32, #tpu.memory_space<hbm>>
      tpu.wait_indirect_dma semaphore(%arg12 : memref<!tpu.dma_semaphore, #tpu.memory_space<semaphore_mem>>) src(%dma_wait3A_73 : memref<10000x64xf32, #tpu.memory_space<hbm>>) dst(%arg9 : memref<125x64xf32, #tpu.memory_space<vmem>>)
      %dma_start3A_74 = arith.constant 0 : i32
      %dma_start3A_75 = tpu.memref_slice %arg8[%mul3A_67, %dma_start3A_74] : memref<80x125xi32, #tpu.memory_space<vmem>> -> memref<1x125xi32, #tpu.memory_space<vmem>>
      %dma_start3A_76 = tpu.memref_squeeze %dma_start3A_75 : memref<1x125xi32, #tpu.memory_space<vmem>> -> memref<125xi32, #tpu.memory_space<vmem>>
      %dma_start3A_77 = arith.constant 0 : i32
      %dma_start3A_78 = arith.constant 0 : i32
      %dma_start3A_79 = tpu.memref_slice %arg11[%dma_start3A_77, %dma_start3A_78] : memref<10000x64xf32, #tpu.memory_space<vmem_shared>> -> memref<10000x64xf32, #tpu.memory_space<vmem_shared>>
      tpu.enqueue_indirect_dma source(%arg9 : memref<125x64xf32, #tpu.memory_space<vmem>>) target(%dma_start3A_79 : memref<10000x64xf32, #tpu.memory_space<vmem_shared>>) offsets(%dma_start3A_76 : memref<125xi32, #tpu.memory_space<vmem>>) semaphore(%arg14 : memref<!tpu.dma_semaphore, #tpu.memory_space<semaphore_mem>>) {add = true}
      %add3A_80 = arith.constant 1 : i32
      %add3A_81 = arith.addi %mul3A_67, %add3A_80 : i32
      %dma_wait3A_82 = arith.constant 0 : i32
      %dma_wait3A_83 = tpu.memref_slice %arg7[%add3A_81, %dma_wait3A_82] : memref<80x125xi32, #tpu.memory_space<vmem>> -> memref<1x125xi32, #tpu.memory_space<vmem>>
      %dma_wait3A_84 = tpu.memref_squeeze %dma_wait3A_83 : memref<1x125xi32, #tpu.memory_space<vmem>> -> memref<125xi32, #tpu.memory_space<vmem>>
      %dma_wait3A_85 = arith.constant 0 : i32
      %dma_wait3A_86 = arith.constant 0 : i32
      %dma_wait3A_87 = tpu.memref_slice %arg2[%dma_wait3A_85, %dma_wait3A_86] : memref<10000x64xf32, #tpu.memory_space<hbm>> -> memref<10000x64xf32, #tpu.memory_space<hbm>>
      tpu.wait_indirect_dma semaphore(%arg13 : memref<!tpu.dma_semaphore, #tpu.memory_space<semaphore_mem>>) src(%dma_wait3A_87 : memref<10000x64xf32, #tpu.memory_space<hbm>>) dst(%arg10 : memref<125x64xf32, #tpu.memory_space<vmem>>)
      %add3A_88 = arith.constant 1 : i32
      %add3A_89 = arith.addi %mul3A_67, %add3A_88 : i32
      %dma_start3A_90 = arith.constant 0 : i32
      %dma_start3A_91 = tpu.memref_slice %arg8[%add3A_89, %dma_start3A_90] : memref<80x125xi32, #tpu.memory_space<vmem>> -> memref<1x125xi32, #tpu.memory_space<vmem>>
      %dma_start3A_92 = tpu.memref_squeeze %dma_start3A_91 : memref<1x125xi32, #tpu.memory_space<vmem>> -> memref<125xi32, #tpu.memory_space<vmem>>
      %dma_start3A_93 = arith.constant 0 : i32
      %dma_start3A_94 = arith.constant 0 : i32
      %dma_start3A_95 = tpu.memref_slice %arg11[%dma_start3A_93, %dma_start3A_94] : memref<10000x64xf32, #tpu.memory_space<vmem_shared>> -> memref<10000x64xf32, #tpu.memory_space<vmem_shared>>
      tpu.enqueue_indirect_dma source(%arg10 : memref<125x64xf32, #tpu.memory_space<vmem>>) target(%dma_start3A_95 : memref<10000x64xf32, #tpu.memory_space<vmem_shared>>) offsets(%dma_start3A_92 : memref<125xi32, #tpu.memory_space<vmem>>) semaphore(%arg15 : memref<!tpu.dma_semaphore, #tpu.memory_space<semaphore_mem>>) {add = true}
      %dma_wait3A_96 = arith.constant 0 : i32
      %dma_wait3A_97 = tpu.memref_slice %arg8[%mul3A_67, %dma_wait3A_96] : memref<80x125xi32, #tpu.memory_space<vmem>> -> memref<1x125xi32, #tpu.memory_space<vmem>>
      %dma_wait3A_98 = tpu.memref_squeeze %dma_wait3A_97 : memref<1x125xi32, #tpu.memory_space<vmem>> -> memref<125xi32, #tpu.memory_space<vmem>>
      %dma_wait3A_99 = arith.constant 0 : i32
      %dma_wait3A_100 = arith.constant 0 : i32
      %dma_wait3A_101 = tpu.memref_slice %arg11[%dma_wait3A_99, %dma_wait3A_100] : memref<10000x64xf32, #tpu.memory_space<vmem_shared>> -> memref<10000x64xf32, #tpu.memory_space<vmem_shared>>
      tpu.wait_indirect_dma semaphore(%arg14 : memref<!tpu.dma_semaphore, #tpu.memory_space<semaphore_mem>>) src(%arg9 : memref<125x64xf32, #tpu.memory_space<vmem>>) dst(%dma_wait3A_101 : memref<10000x64xf32, #tpu.memory_space<vmem_shared>>)
      %add3A_102 = arith.constant 2 : i32
      %add3A_103 = arith.addi %mul3A_67, %add3A_102 : i32
      %dma_start3A_104 = arith.constant 0 : i32
      %dma_start3A_105 = tpu.memref_slice %arg7[%add3A_103, %dma_start3A_104] : memref<80x125xi32, #tpu.memory_space<vmem>> -> memref<1x125xi32, #tpu.memory_space<vmem>>
      %dma_start3A_106 = tpu.memref_squeeze %dma_start3A_105 : memref<1x125xi32, #tpu.memory_space<vmem>> -> memref<125xi32, #tpu.memory_space<vmem>>
      %dma_start3A_107 = arith.constant 0 : i32
      %dma_start3A_108 = arith.constant 0 : i32
      %dma_start3A_109 = tpu.memref_slice %arg2[%dma_start3A_107, %dma_start3A_108] : memref<10000x64xf32, #tpu.memory_space<hbm>> -> memref<10000x64xf32, #tpu.memory_space<hbm>>
      tpu.enqueue_indirect_dma source(%dma_start3A_109 : memref<10000x64xf32, #tpu.memory_space<hbm>>) target(%arg9 : memref<125x64xf32, #tpu.memory_space<vmem>>) offsets(%dma_start3A_106 : memref<125xi32, #tpu.memory_space<vmem>>) semaphore(%arg12 : memref<!tpu.dma_semaphore, #tpu.memory_space<semaphore_mem>>)
      %add3A_110 = arith.constant 1 : i32
      %add3A_111 = arith.addi %mul3A_67, %add3A_110 : i32
      %dma_wait3A_112 = arith.constant 0 : i32
      %dma_wait3A_113 = tpu.memref_slice %arg8[%add3A_111, %dma_wait3A_112] : memref<80x125xi32, #tpu.memory_space<vmem>> -> memref<1x125xi32, #tpu.memory_space<vmem>>
      %dma_wait3A_114 = tpu.memref_squeeze %dma_wait3A_113 : memref<1x125xi32, #tpu.memory_space<vmem>> -> memref<125xi32, #tpu.memory_space<vmem>>
      %dma_wait3A_115 = arith.constant 0 : i32
      %dma_wait3A_116 = arith.constant 0 : i32
      %dma_wait3A_117 = tpu.memref_slice %arg11[%dma_wait3A_115, %dma_wait3A_116] : memref<10000x64xf32, #tpu.memory_space<vmem_shared>> -> memref<10000x64xf32, #tpu.memory_space<vmem_shared>>
      tpu.wait_indirect_dma semaphore(%arg15 : memref<!tpu.dma_semaphore, #tpu.memory_space<semaphore_mem>>) src(%arg10 : memref<125x64xf32, #tpu.memory_space<vmem>>) dst(%dma_wait3A_117 : memref<10000x64xf32, #tpu.memory_space<vmem_shared>>)
      %add3A_118 = arith.constant 3 : i32
      %add3A_119 = arith.addi %mul3A_67, %add3A_118 : i32
      %dma_start3A_120 = arith.constant 0 : i32
      %dma_start3A_121 = tpu.memref_slice %arg7[%add3A_119, %dma_start3A_120] : memref<80x125xi32, #tpu.memory_space<vmem>> -> memref<1x125xi32, #tpu.memory_space<vmem>>
      %dma_start3A_122 = tpu.memref_squeeze %dma_start3A_121 : memref<1x125xi32, #tpu.memory_space<vmem>> -> memref<125xi32, #tpu.memory_space<vmem>>
      %dma_start3A_123 = arith.constant 0 : i32
      %dma_start3A_124 = arith.constant 0 : i32
      %dma_start3A_125 = tpu.memref_slice %arg2[%dma_start3A_123, %dma_start3A_124] : memref<10000x64xf32, #tpu.memory_space<hbm>> -> memref<10000x64xf32, #tpu.memory_space<hbm>>
      tpu.enqueue_indirect_dma source(%dma_start3A_125 : memref<10000x64xf32, #tpu.memory_space<hbm>>) target(%arg10 : memref<125x64xf32, #tpu.memory_space<vmem>>) offsets(%dma_start3A_122 : memref<125xi32, #tpu.memory_space<vmem>>) semaphore(%arg13 : memref<!tpu.dma_semaphore, #tpu.memory_space<semaphore_mem>>)
      %scan3A_126 = arith.constant 0 : i32
      scf.yield %scan3A_126 : i32
    }
    %scan3A_21 = arith.constant 39 : i32
    %dma_wait3A = arith.constant 78 : i32
    %dma_wait3A_22 = arith.constant 0 : i32
    %dma_wait3A_23 = tpu.memref_slice %arg7[%dma_wait3A, %dma_wait3A_22] : memref<80x125xi32, #tpu.memory_space<vmem>> -> memref<1x125xi32, #tpu.memory_space<vmem>>
    %dma_wait3A_24 = tpu.memref_squeeze %dma_wait3A_23 : memref<1x125xi32, #tpu.memory_space<vmem>> -> memref<125xi32, #tpu.memory_space<vmem>>
    %dma_wait3A_25 = arith.constant 0 : i32
    %dma_wait3A_26 = arith.constant 0 : i32
    %dma_wait3A_27 = tpu.memref_slice %arg2[%dma_wait3A_25, %dma_wait3A_26] : memref<10000x64xf32, #tpu.memory_space<hbm>> -> memref<10000x64xf32, #tpu.memory_space<hbm>>
    tpu.wait_indirect_dma semaphore(%arg12 : memref<!tpu.dma_semaphore, #tpu.memory_space<semaphore_mem>>) src(%dma_wait3A_27 : memref<10000x64xf32, #tpu.memory_space<hbm>>) dst(%arg9 : memref<125x64xf32, #tpu.memory_space<vmem>>)
    %dma_start3A_28 = arith.constant 78 : i32
    %dma_start3A_29 = arith.constant 0 : i32
    %dma_start3A_30 = tpu.memref_slice %arg8[%dma_start3A_28, %dma_start3A_29] : memref<80x125xi32, #tpu.memory_space<vmem>> -> memref<1x125xi32, #tpu.memory_space<vmem>>
    %dma_start3A_31 = tpu.memref_squeeze %dma_start3A_30 : memref<1x125xi32, #tpu.memory_space<vmem>> -> memref<125xi32, #tpu.memory_space<vmem>>
    %dma_start3A_32 = arith.constant 0 : i32
    %dma_start3A_33 = arith.constant 0 : i32
    %dma_start3A_34 = tpu.memref_slice %arg11[%dma_start3A_32, %dma_start3A_33] : memref<10000x64xf32, #tpu.memory_space<vmem_shared>> -> memref<10000x64xf32, #tpu.memory_space<vmem_shared>>
    tpu.enqueue_indirect_dma source(%arg9 : memref<125x64xf32, #tpu.memory_space<vmem>>) target(%dma_start3A_34 : memref<10000x64xf32, #tpu.memory_space<vmem_shared>>) offsets(%dma_start3A_31 : memref<125xi32, #tpu.memory_space<vmem>>) semaphore(%arg14 : memref<!tpu.dma_semaphore, #tpu.memory_space<semaphore_mem>>) {add = true}
    %dma_wait3A_35 = arith.constant 79 : i32
    %dma_wait3A_36 = arith.constant 0 : i32
    %dma_wait3A_37 = tpu.memref_slice %arg7[%dma_wait3A_35, %dma_wait3A_36] : memref<80x125xi32, #tpu.memory_space<vmem>> -> memref<1x125xi32, #tpu.memory_space<vmem>>
    %dma_wait3A_38 = tpu.memref_squeeze %dma_wait3A_37 : memref<1x125xi32, #tpu.memory_space<vmem>> -> memref<125xi32, #tpu.memory_space<vmem>>
    %dma_wait3A_39 = arith.constant 0 : i32
    %dma_wait3A_40 = arith.constant 0 : i32
    %dma_wait3A_41 = tpu.memref_slice %arg2[%dma_wait3A_39, %dma_wait3A_40] : memref<10000x64xf32, #tpu.memory_space<hbm>> -> memref<10000x64xf32, #tpu.memory_space<hbm>>
    tpu.wait_indirect_dma semaphore(%arg13 : memref<!tpu.dma_semaphore, #tpu.memory_space<semaphore_mem>>) src(%dma_wait3A_41 : memref<10000x64xf32, #tpu.memory_space<hbm>>) dst(%arg10 : memref<125x64xf32, #tpu.memory_space<vmem>>)
    %dma_start3A_42 = arith.constant 79 : i32
    %dma_start3A_43 = arith.constant 0 : i32
    %dma_start3A_44 = tpu.memref_slice %arg8[%dma_start3A_42, %dma_start3A_43] : memref<80x125xi32, #tpu.memory_space<vmem>> -> memref<1x125xi32, #tpu.memory_space<vmem>>
    %dma_start3A_45 = tpu.memref_squeeze %dma_start3A_44 : memref<1x125xi32, #tpu.memory_space<vmem>> -> memref<125xi32, #tpu.memory_space<vmem>>
    %dma_start3A_46 = arith.constant 0 : i32
    %dma_start3A_47 = arith.constant 0 : i32
    %dma_start3A_48 = tpu.memref_slice %arg11[%dma_start3A_46, %dma_start3A_47] : memref<10000x64xf32, #tpu.memory_space<vmem_shared>> -> memref<10000x64xf32, #tpu.memory_space<vmem_shared>>
    tpu.enqueue_indirect_dma source(%arg10 : memref<125x64xf32, #tpu.memory_space<vmem>>) target(%dma_start3A_48 : memref<10000x64xf32, #tpu.memory_space<vmem_shared>>) offsets(%dma_start3A_45 : memref<125xi32, #tpu.memory_space<vmem>>) semaphore(%arg15 : memref<!tpu.dma_semaphore, #tpu.memory_space<semaphore_mem>>) {add = true}
    %dma_wait3A_49 = arith.constant 78 : i32
    %dma_wait3A_50 = arith.constant 0 : i32
    %dma_wait3A_51 = tpu.memref_slice %arg8[%dma_wait3A_49, %dma_wait3A_50] : memref<80x125xi32, #tpu.memory_space<vmem>> -> memref<1x125xi32, #tpu.memory_space<vmem>>
    %dma_wait3A_52 = tpu.memref_squeeze %dma_wait3A_51 : memref<1x125xi32, #tpu.memory_space<vmem>> -> memref<125xi32, #tpu.memory_space<vmem>>
    %dma_wait3A_53 = arith.constant 0 : i32
    %dma_wait3A_54 = arith.constant 0 : i32
    %dma_wait3A_55 = tpu.memref_slice %arg11[%dma_wait3A_53, %dma_wait3A_54] : memref<10000x64xf32, #tpu.memory_space<vmem_shared>> -> memref<10000x64xf32, #tpu.memory_space<vmem_shared>>
    tpu.wait_indirect_dma semaphore(%arg14 : memref<!tpu.dma_semaphore, #tpu.memory_space<semaphore_mem>>) src(%arg9 : memref<125x64xf32, #tpu.memory_space<vmem>>) dst(%dma_wait3A_55 : memref<10000x64xf32, #tpu.memory_space<vmem_shared>>)
    %dma_wait3A_56 = arith.constant 79 : i32
    %dma_wait3A_57 = arith.constant 0 : i32
    %dma_wait3A_58 = tpu.memref_slice %arg8[%dma_wait3A_56, %dma_wait3A_57] : memref<80x125xi32, #tpu.memory_space<vmem>> -> memref<1x125xi32, #tpu.memory_space<vmem>>
    %dma_wait3A_59 = tpu.memref_squeeze %dma_wait3A_58 : memref<1x125xi32, #tpu.memory_space<vmem>> -> memref<125xi32, #tpu.memory_space<vmem>>
    %dma_wait3A_60 = arith.constant 0 : i32
    %dma_wait3A_61 = arith.constant 0 : i32
    %dma_wait3A_62 = tpu.memref_slice %arg11[%dma_wait3A_60, %dma_wait3A_61] : memref<10000x64xf32, #tpu.memory_space<vmem_shared>> -> memref<10000x64xf32, #tpu.memory_space<vmem_shared>>
    tpu.wait_indirect_dma semaphore(%arg15 : memref<!tpu.dma_semaphore, #tpu.memory_space<semaphore_mem>>) src(%arg10 : memref<125x64xf32, #tpu.memory_space<vmem>>) dst(%dma_wait3A_62 : memref<10000x64xf32, #tpu.memory_space<vmem_shared>>)
    %barrier3A_63 = arith.constant 0 : index
    tpu.barrier barrier_id(%barrier3A_63)
    "tpu.region"() ({
      %run_scoped3A = tpu.sem_alloc : memref<!tpu.dma_semaphore, #tpu.memory_space<semaphore_mem>>
      %dma_start3A_64 = arith.constant 0 : i32
      %dma_start3A_65 = tpu.memref_slice %arg6[%arg0, %mul3A_2, %dma_start3A_64] : memref<2x10000x64xf32, #tpu.memory_space<hbm>> -> memref<1x625x64xf32, #tpu.memory_space<hbm>>
      %dma_start3A_66 = tpu.memref_squeeze %dma_start3A_65 : memref<1x625x64xf32, #tpu.memory_space<hbm>> -> memref<625x64xf32, #tpu.memory_space<hbm>>
      %dma_start3A_67 = arith.constant 0 : i32
      %dma_start3A_68 = tpu.memref_slice %arg11[%mul3A_2, %dma_start3A_67] : memref<10000x64xf32, #tpu.memory_space<vmem_shared>> -> memref<625x64xf32, #tpu.memory_space<vmem_shared>>
      tpu.enqueue_dma source(%dma_start3A_68 : memref<625x64xf32, #tpu.memory_space<vmem_shared>>) target(%dma_start3A_66 : memref<625x64xf32, #tpu.memory_space<hbm>>) target_semaphore(%run_scoped3A : memref<!tpu.dma_semaphore, #tpu.memory_space<semaphore_mem>>)
      %dma_wait3A_69 = arith.constant 0 : i32
      %dma_wait3A_70 = tpu.memref_slice %arg6[%arg0, %mul3A_2, %dma_wait3A_69] : memref<2x10000x64xf32, #tpu.memory_space<hbm>> -> memref<1x625x64xf32, #tpu.memory_space<hbm>>
      %dma_wait3A_71 = tpu.memref_squeeze %dma_wait3A_70 : memref<1x625x64xf32, #tpu.memory_space<hbm>> -> memref<625x64xf32, #tpu.memory_space<hbm>>
      %dma_wait3A_72 = arith.constant 0 : i32
      %dma_wait3A_73 = tpu.memref_slice %arg11[%mul3A_2, %dma_wait3A_72] : memref<10000x64xf32, #tpu.memory_space<vmem_shared>> -> memref<625x64xf32, #tpu.memory_space<vmem_shared>>
      tpu.wait_dma2 semaphore(%run_scoped3A : memref<!tpu.dma_semaphore, #tpu.memory_space<semaphore_mem>>) src(%dma_wait3A_73 : memref<625x64xf32, #tpu.memory_space<vmem_shared>>) dst(%dma_wait3A_71 : memref<625x64xf32, #tpu.memory_space<hbm>>)
      tpu.yield
    }) : () -> ()
    return
  }
}

#map = affine_map<(d0, d1) -> (0, 0, 0)>
module attributes {stable_mosaic.version = 14 : i64} {
  func.func @gcn_deg(%arg0: i32, %arg1: i32, %arg2: memref<32x80x125xi32, #tpu.memory_space<hbm>>, %arg3: memref<2x16x640xf32, #tpu.memory_space<hbm>>, %arg4: memref<80x125xi32, #tpu.memory_space<vmem>>, %arg5: memref<128xf32, #tpu.memory_space<vmem>>, %arg6: memref<640xf32, #tpu.memory_space<vmem>>, %arg7: memref<10240xf32, #tpu.memory_space<vmem_shared>>) attributes {dimension_semantics = [#tpu.dimension_semantics<core_parallel>, #tpu.dimension_semantics<subcore_parallel>], iteration_bounds = array<i64: 2, 16>, scalar_prefetch = 0 : i64, scratch_operands = 4 : i64, tpu.core_type = #tpu.core_type<sc_vector_subcore>, window_params = [{transform_indices = #map}, {transform_indices = #map}]} {
    %mul3A = arith.constant 16 : i32
    %mul3A_0 = arith.muli %arg0, %mul3A : i32
    %add3A = arith.addi %mul3A_0, %arg1 : i32
    %broadcast_in_dim3A = arith.constant 1.000000e+00 : f32
    %broadcast_in_dim3A_1 = vector.broadcast %broadcast_in_dim3A : f32 to vector<16xf32>
    %swap3A = arith.constant 0 : index
    %swap3A_2 = tpu.vector_load %arg5[%swap3A] {strides = array<i32>} : memref<128xf32, #tpu.memory_space<vmem>>, vector<16xf32>,
    %swap3A_3 = vector.shape_cast %swap3A_2 : vector<16xf32> to vector<16xf32>
    %swap3A_4 = vector.shape_cast %broadcast_in_dim3A_1 : vector<16xf32> to vector<16xf32>
    tpu.vector_store %arg5[%swap3A], %swap3A_4 {strides = array<i32>} : memref<128xf32, #tpu.memory_space<vmem>>, vector<16xf32>,
    %broadcast_in_dim3A_5 = arith.constant 1.000000e+00 : f32
    %broadcast_in_dim3A_6 = vector.broadcast %broadcast_in_dim3A_5 : f32 to vector<16xf32>
    %swap3A_7 = arith.constant 16 : index
    %swap3A_8 = tpu.vector_load %arg5[%swap3A_7] {strides = array<i32>} : memref<128xf32, #tpu.memory_space<vmem>>, vector<16xf32>,
    %swap3A_9 = vector.shape_cast %swap3A_8 : vector<16xf32> to vector<16xf32>
    %swap3A_10 = vector.shape_cast %broadcast_in_dim3A_6 : vector<16xf32> to vector<16xf32>
    tpu.vector_store %arg5[%swap3A_7], %swap3A_10 {strides = array<i32>} : memref<128xf32, #tpu.memory_space<vmem>>, vector<16xf32>,
    %broadcast_in_dim3A_11 = arith.constant 1.000000e+00 : f32
    %broadcast_in_dim3A_12 = vector.broadcast %broadcast_in_dim3A_11 : f32 to vector<16xf32>
    %swap3A_13 = arith.constant 32 : index
    %swap3A_14 = tpu.vector_load %arg5[%swap3A_13] {strides = array<i32>} : memref<128xf32, #tpu.memory_space<vmem>>, vector<16xf32>,
    %swap3A_15 = vector.shape_cast %swap3A_14 : vector<16xf32> to vector<16xf32>
    %swap3A_16 = vector.shape_cast %broadcast_in_dim3A_12 : vector<16xf32> to vector<16xf32>
    tpu.vector_store %arg5[%swap3A_13], %swap3A_16 {strides = array<i32>} : memref<128xf32, #tpu.memory_space<vmem>>, vector<16xf32>,
    %broadcast_in_dim3A_17 = arith.constant 1.000000e+00 : f32
    %broadcast_in_dim3A_18 = vector.broadcast %broadcast_in_dim3A_17 : f32 to vector<16xf32>
    %swap3A_19 = arith.constant 48 : index
    %swap3A_20 = tpu.vector_load %arg5[%swap3A_19] {strides = array<i32>} : memref<128xf32, #tpu.memory_space<vmem>>, vector<16xf32>,
    %swap3A_21 = vector.shape_cast %swap3A_20 : vector<16xf32> to vector<16xf32>
    %swap3A_22 = vector.shape_cast %broadcast_in_dim3A_18 : vector<16xf32> to vector<16xf32>
    tpu.vector_store %arg5[%swap3A_19], %swap3A_22 {strides = array<i32>} : memref<128xf32, #tpu.memory_space<vmem>>, vector<16xf32>,
    %broadcast_in_dim3A_23 = arith.constant 1.000000e+00 : f32
    %broadcast_in_dim3A_24 = vector.broadcast %broadcast_in_dim3A_23 : f32 to vector<16xf32>
    %swap3A_25 = arith.constant 64 : index
    %swap3A_26 = tpu.vector_load %arg5[%swap3A_25] {strides = array<i32>} : memref<128xf32, #tpu.memory_space<vmem>>, vector<16xf32>,
    %swap3A_27 = vector.shape_cast %swap3A_26 : vector<16xf32> to vector<16xf32>
    %swap3A_28 = vector.shape_cast %broadcast_in_dim3A_24 : vector<16xf32> to vector<16xf32>
    tpu.vector_store %arg5[%swap3A_25], %swap3A_28 {strides = array<i32>} : memref<128xf32, #tpu.memory_space<vmem>>, vector<16xf32>,
    %broadcast_in_dim3A_29 = arith.constant 1.000000e+00 : f32
    %broadcast_in_dim3A_30 = vector.broadcast %broadcast_in_dim3A_29 : f32 to vector<16xf32>
    %swap3A_31 = arith.constant 80 : index
    %swap3A_32 = tpu.vector_load %arg5[%swap3A_31] {strides = array<i32>} : memref<128xf32, #tpu.memory_space<vmem>>, vector<16xf32>,
    %swap3A_33 = vector.shape_cast %swap3A_32 : vector<16xf32> to vector<16xf32>
    %swap3A_34 = vector.shape_cast %broadcast_in_dim3A_30 : vector<16xf32> to vector<16xf32>
    tpu.vector_store %arg5[%swap3A_31], %swap3A_34 {strides = array<i32>} : memref<128xf32, #tpu.memory_space<vmem>>, vector<16xf32>,
    %broadcast_in_dim3A_35 = arith.constant 1.000000e+00 : f32
    %broadcast_in_dim3A_36 = vector.broadcast %broadcast_in_dim3A_35 : f32 to vector<16xf32>
    %swap3A_37 = arith.constant 96 : index
    %swap3A_38 = tpu.vector_load %arg5[%swap3A_37] {strides = array<i32>} : memref<128xf32, #tpu.memory_space<vmem>>, vector<16xf32>,
    %swap3A_39 = vector.shape_cast %swap3A_38 : vector<16xf32> to vector<16xf32>
    %swap3A_40 = vector.shape_cast %broadcast_in_dim3A_36 : vector<16xf32> to vector<16xf32>
    tpu.vector_store %arg5[%swap3A_37], %swap3A_40 {strides = array<i32>} : memref<128xf32, #tpu.memory_space<vmem>>, vector<16xf32>,
    %broadcast_in_dim3A_41 = arith.constant 1.000000e+00 : f32
    %broadcast_in_dim3A_42 = vector.broadcast %broadcast_in_dim3A_41 : f32 to vector<16xf32>
    %swap3A_43 = arith.constant 112 : index
    %swap3A_44 = tpu.vector_load %arg5[%swap3A_43] {strides = array<i32>} : memref<128xf32, #tpu.memory_space<vmem>>, vector<16xf32>,
    %swap3A_45 = vector.shape_cast %swap3A_44 : vector<16xf32> to vector<16xf32>
    %swap3A_46 = vector.shape_cast %broadcast_in_dim3A_42 : vector<16xf32> to vector<16xf32>
    tpu.vector_store %arg5[%swap3A_43], %swap3A_46 {strides = array<i32>} : memref<128xf32, #tpu.memory_space<vmem>>, vector<16xf32>,
    %scan3A = arith.constant 0 : i32
    %scan3A_47 = arith.constant 0 : i32
    %scan3A_48 = arith.constant 40 : i32
    %scan3A_49 = arith.addi %scan3A_47, %scan3A_48 : i32
    %scan3A_50 = arith.constant 1 : i32
    %scan3A_51 = scf.for %scan3A_65 = %scan3A_47 to %scan3A_49 step %scan3A_50 iter_args(%scan3A_66 = %scan3A) -> (i32)  : i32 {
      %broadcast_in_dim3A_67 = arith.constant 0.000000e+00 : f32
      %broadcast_in_dim3A_68 = vector.broadcast %broadcast_in_dim3A_67 : f32 to vector<16xf32>
      %mul3A_69 = arith.constant 16 : i32
      %mul3A_70 = arith.muli %scan3A_65, %mul3A_69 : i32
      %swap3A_71 = arith.index_cast %mul3A_70 : i32 to index
      %swap3A_72 = tpu.vector_load %arg6[%swap3A_71] {strides = array<i32>} : memref<640xf32, #tpu.memory_space<vmem>>, vector<16xf32>,
      %swap3A_73 = vector.shape_cast %swap3A_72 : vector<16xf32> to vector<16xf32>
      %swap3A_74 = vector.shape_cast %broadcast_in_dim3A_68 : vector<16xf32> to vector<16xf32>
      tpu.vector_store %arg6[%swap3A_71], %swap3A_74 {strides = array<i32>} : memref<640xf32, #tpu.memory_space<vmem>>, vector<16xf32>,
      %scan3A_75 = arith.constant 0 : i32
      scf.yield %scan3A_75 : i32
    }
    %scan3A_52 = arith.constant 40 : i32
    %mul3A_53 = arith.constant 640 : i32
    %mul3A_54 = arith.muli %arg1, %mul3A_53 : i32
    "tpu.region"() ({
      %run_scoped3A = tpu.sem_alloc : memref<!tpu.dma_semaphore, #tpu.memory_space<semaphore_mem>>
      %dma_start3A = tpu.memref_slice %arg7[%mul3A_54] : memref<10240xf32, #tpu.memory_space<vmem_shared>> -> memref<640xf32, #tpu.memory_space<vmem_shared>>
      %dma_start3A_65 = tpu.memref_slice %arg7[%mul3A_54] : memref<10240xf32, #tpu.memory_space<vmem_shared>> -> memref<640xf32, #tpu.memory_space<vmem_shared>>
      tpu.enqueue_dma source(%arg6 : memref<640xf32, #tpu.memory_space<vmem>>) target(%dma_start3A_65 : memref<640xf32, #tpu.memory_space<vmem_shared>>) target_semaphore(%run_scoped3A : memref<!tpu.dma_semaphore, #tpu.memory_space<semaphore_mem>>)
      %dma_wait3A = tpu.memref_slice %arg7[%mul3A_54] : memref<10240xf32, #tpu.memory_space<vmem_shared>> -> memref<640xf32, #tpu.memory_space<vmem_shared>>
      %dma_wait3A_66 = tpu.memref_slice %arg7[%mul3A_54] : memref<10240xf32, #tpu.memory_space<vmem_shared>> -> memref<640xf32, #tpu.memory_space<vmem_shared>>
      tpu.wait_dma2 semaphore(%run_scoped3A : memref<!tpu.dma_semaphore, #tpu.memory_space<semaphore_mem>>) src(%arg6 : memref<640xf32, #tpu.memory_space<vmem>>) dst(%dma_wait3A_66 : memref<640xf32, #tpu.memory_space<vmem_shared>>)
      tpu.yield
    }) : () -> ()
    "tpu.region"() ({
      %run_scoped3A = tpu.sem_alloc : memref<!tpu.dma_semaphore, #tpu.memory_space<semaphore_mem>>
      %dma_start3A = arith.constant 0 : i32
      %dma_start3A_65 = arith.constant 0 : i32
      %dma_start3A_66 = tpu.memref_slice %arg2[%add3A, %dma_start3A, %dma_start3A_65] : memref<32x80x125xi32, #tpu.memory_space<hbm>> -> memref<1x80x125xi32, #tpu.memory_space<hbm>>
      %dma_start3A_67 = tpu.memref_squeeze %dma_start3A_66 : memref<1x80x125xi32, #tpu.memory_space<hbm>> -> memref<80x125xi32, #tpu.memory_space<hbm>>
      %dma_start3A_68 = arith.constant 0 : i32
      %dma_start3A_69 = arith.constant 0 : i32
      %dma_start3A_70 = tpu.memref_slice %arg2[%add3A, %dma_start3A_68, %dma_start3A_69] : memref<32x80x125xi32, #tpu.memory_space<hbm>> -> memref<1x80x125xi32, #tpu.memory_space<hbm>>
      %dma_start3A_71 = tpu.memref_squeeze %dma_start3A_70 : memref<1x80x125xi32, #tpu.memory_space<hbm>> -> memref<80x125xi32, #tpu.memory_space<hbm>>
      tpu.enqueue_dma source(%dma_start3A_71 : memref<80x125xi32, #tpu.memory_space<hbm>>) target(%arg4 : memref<80x125xi32, #tpu.memory_space<vmem>>) target_semaphore(%run_scoped3A : memref<!tpu.dma_semaphore, #tpu.memory_space<semaphore_mem>>)
      %dma_wait3A = arith.constant 0 : i32
      %dma_wait3A_72 = arith.constant 0 : i32
      %dma_wait3A_73 = tpu.memref_slice %arg2[%add3A, %dma_wait3A, %dma_wait3A_72] : memref<32x80x125xi32, #tpu.memory_space<hbm>> -> memref<1x80x125xi32, #tpu.memory_space<hbm>>
      %dma_wait3A_74 = tpu.memref_squeeze %dma_wait3A_73 : memref<1x80x125xi32, #tpu.memory_space<hbm>> -> memref<80x125xi32, #tpu.memory_space<hbm>>
      %dma_wait3A_75 = arith.constant 0 : i32
      %dma_wait3A_76 = arith.constant 0 : i32
      %dma_wait3A_77 = tpu.memref_slice %arg2[%add3A, %dma_wait3A_75, %dma_wait3A_76] : memref<32x80x125xi32, #tpu.memory_space<hbm>> -> memref<1x80x125xi32, #tpu.memory_space<hbm>>
      %dma_wait3A_78 = tpu.memref_squeeze %dma_wait3A_77 : memref<1x80x125xi32, #tpu.memory_space<hbm>> -> memref<80x125xi32, #tpu.memory_space<hbm>>
      tpu.wait_dma2 semaphore(%run_scoped3A : memref<!tpu.dma_semaphore, #tpu.memory_space<semaphore_mem>>) src(%dma_wait3A_78 : memref<80x125xi32, #tpu.memory_space<hbm>>) dst(%arg4 : memref<80x125xi32, #tpu.memory_space<vmem>>)
      tpu.yield
    }) : () -> ()
    %barrier3A = arith.constant 0 : index
    tpu.barrier barrier_id(%barrier3A)
    %scan3A_55 = arith.constant 0 : i32
    %scan3A_56 = arith.constant 0 : i32
    %scan3A_57 = arith.constant 80 : i32
    %scan3A_58 = arith.addi %scan3A_56, %scan3A_57 : i32
    %scan3A_59 = arith.constant 1 : i32
    %scan3A_60 = scf.for %scan3A_65 = %scan3A_56 to %scan3A_58 step %scan3A_59 iter_args(%scan3A_66 = %scan3A_55) -> (i32)  : i32 {
      "tpu.region"() ({
        %run_scoped3A = tpu.sem_alloc : memref<!tpu.dma_semaphore, #tpu.memory_space<semaphore_mem>>
        %dma_start3A = arith.constant 0 : i32
        %dma_start3A_68 = tpu.memref_slice %arg5[%dma_start3A] : memref<128xf32, #tpu.memory_space<vmem>> -> memref<125xf32, #tpu.memory_space<vmem>>
        %dma_start3A_69 = arith.constant 0 : i32
        %dma_start3A_70 = tpu.memref_slice %arg4[%scan3A_65, %dma_start3A_69] : memref<80x125xi32, #tpu.memory_space<vmem>> -> memref<1x125xi32, #tpu.memory_space<vmem>>
        %dma_start3A_71 = tpu.memref_squeeze %dma_start3A_70 : memref<1x125xi32, #tpu.memory_space<vmem>> -> memref<125xi32, #tpu.memory_space<vmem>>
        %dma_start3A_72 = arith.constant 0 : i32
        %dma_start3A_73 = tpu.memref_slice %arg7[%dma_start3A_72] : memref<10240xf32, #tpu.memory_space<vmem_shared>> -> memref<10240xf32, #tpu.memory_space<vmem_shared>>
        tpu.enqueue_indirect_dma source(%dma_start3A_68 : memref<125xf32, #tpu.memory_space<vmem>>) target(%dma_start3A_73 : memref<10240xf32, #tpu.memory_space<vmem_shared>>) offsets(%dma_start3A_71 : memref<125xi32, #tpu.memory_space<vmem>>) semaphore(%run_scoped3A : memref<!tpu.dma_semaphore, #tpu.memory_space<semaphore_mem>>) {add = true}
        %dma_wait3A = arith.constant 0 : i32
        %dma_wait3A_74 = tpu.memref_slice %arg5[%dma_wait3A] : memref<128xf32, #tpu.memory_space<vmem>> -> memref<125xf32, #tpu.memory_space<vmem>>
        %dma_wait3A_75 = arith.constant 0 : i32
        %dma_wait3A_76 = tpu.memref_slice %arg4[%scan3A_65, %dma_wait3A_75] : memref<80x125xi32, #tpu.memory_space<vmem>> -> memref<1x125xi32, #tpu.memory_space<vmem>>
        %dma_wait3A_77 = tpu.memref_squeeze %dma_wait3A_76 : memref<1x125xi32, #tpu.memory_space<vmem>> -> memref<125xi32, #tpu.memory_space<vmem>>
        %dma_wait3A_78 = arith.constant 0 : i32
        %dma_wait3A_79 = tpu.memref_slice %arg7[%dma_wait3A_78] : memref<10240xf32, #tpu.memory_space<vmem_shared>> -> memref<10240xf32, #tpu.memory_space<vmem_shared>>
        tpu.wait_indirect_dma semaphore(%run_scoped3A : memref<!tpu.dma_semaphore, #tpu.memory_space<semaphore_mem>>) src(%dma_wait3A_74 : memref<125xf32, #tpu.memory_space<vmem>>) dst(%dma_wait3A_79 : memref<10240xf32, #tpu.memory_space<vmem_shared>>)
        tpu.yield
      }) : () -> ()
      %scan3A_67 = arith.constant 0 : i32
      scf.yield %scan3A_67 : i32
    }
    %scan3A_61 = arith.constant 80 : i32
    %barrier3A_62 = arith.constant 0 : index
    tpu.barrier barrier_id(%barrier3A_62)
    %mul3A_63 = arith.constant 640 : i32
    %mul3A_64 = arith.muli %arg1, %mul3A_63 : i32
    "tpu.region"() ({
      %run_scoped3A = tpu.sem_alloc : memref<!tpu.dma_semaphore, #tpu.memory_space<semaphore_mem>>
      %dma_start3A = tpu.memref_slice %arg7[%mul3A_64] : memref<10240xf32, #tpu.memory_space<vmem_shared>> -> memref<640xf32, #tpu.memory_space<vmem_shared>>
      %dma_start3A_65 = tpu.memref_slice %arg7[%mul3A_64] : memref<10240xf32, #tpu.memory_space<vmem_shared>> -> memref<640xf32, #tpu.memory_space<vmem_shared>>
      tpu.enqueue_dma source(%dma_start3A_65 : memref<640xf32, #tpu.memory_space<vmem_shared>>) target(%arg6 : memref<640xf32, #tpu.memory_space<vmem>>) target_semaphore(%run_scoped3A : memref<!tpu.dma_semaphore, #tpu.memory_space<semaphore_mem>>)
      %dma_wait3A = tpu.memref_slice %arg7[%mul3A_64] : memref<10240xf32, #tpu.memory_space<vmem_shared>> -> memref<640xf32, #tpu.memory_space<vmem_shared>>
      %dma_wait3A_66 = tpu.memref_slice %arg7[%mul3A_64] : memref<10240xf32, #tpu.memory_space<vmem_shared>> -> memref<640xf32, #tpu.memory_space<vmem_shared>>
      tpu.wait_dma2 semaphore(%run_scoped3A : memref<!tpu.dma_semaphore, #tpu.memory_space<semaphore_mem>>) src(%dma_wait3A_66 : memref<640xf32, #tpu.memory_space<vmem_shared>>) dst(%arg6 : memref<640xf32, #tpu.memory_space<vmem>>)
      tpu.yield
    }) : () -> ()
    "tpu.region"() ({
      %run_scoped3A = tpu.sem_alloc : memref<!tpu.dma_semaphore, #tpu.memory_space<semaphore_mem>>
      %dma_start3A = arith.constant 0 : i32
      %dma_start3A_65 = tpu.memref_slice %arg3[%arg0, %arg1, %dma_start3A] : memref<2x16x640xf32, #tpu.memory_space<hbm>> -> memref<1x1x640xf32, #tpu.memory_space<hbm>>
      %dma_start3A_66 = tpu.memref_squeeze %dma_start3A_65 : memref<1x1x640xf32, #tpu.memory_space<hbm>> -> memref<640xf32, #tpu.memory_space<hbm>>
      %dma_start3A_67 = arith.constant 0 : i32
      %dma_start3A_68 = tpu.memref_slice %arg3[%arg0, %arg1, %dma_start3A_67] : memref<2x16x640xf32, #tpu.memory_space<hbm>> -> memref<1x1x640xf32, #tpu.memory_space<hbm>>
      %dma_start3A_69 = tpu.memref_squeeze %dma_start3A_68 : memref<1x1x640xf32, #tpu.memory_space<hbm>> -> memref<640xf32, #tpu.memory_space<hbm>>
      tpu.enqueue_dma source(%arg6 : memref<640xf32, #tpu.memory_space<vmem>>) target(%dma_start3A_69 : memref<640xf32, #tpu.memory_space<hbm>>) target_semaphore(%run_scoped3A : memref<!tpu.dma_semaphore, #tpu.memory_space<semaphore_mem>>)
      %dma_wait3A = arith.constant 0 : i32
      %dma_wait3A_70 = tpu.memref_slice %arg3[%arg0, %arg1, %dma_wait3A] : memref<2x16x640xf32, #tpu.memory_space<hbm>> -> memref<1x1x640xf32, #tpu.memory_space<hbm>>
      %dma_wait3A_71 = tpu.memref_squeeze %dma_wait3A_70 : memref<1x1x640xf32, #tpu.memory_space<hbm>> -> memref<640xf32, #tpu.memory_space<hbm>>
      %dma_wait3A_72 = arith.constant 0 : i32
      %dma_wait3A_73 = tpu.memref_slice %arg3[%arg0, %arg1, %dma_wait3A_72] : memref<2x16x640xf32, #tpu.memory_space<hbm>> -> memref<1x1x640xf32, #tpu.memory_space<hbm>>
      %dma_wait3A_74 = tpu.memref_squeeze %dma_wait3A_73 : memref<1x1x640xf32, #tpu.memory_space<hbm>> -> memref<640xf32, #tpu.memory_space<hbm>>
      tpu.wait_dma2 semaphore(%run_scoped3A : memref<!tpu.dma_semaphore, #tpu.memory_space<semaphore_mem>>) src(%arg6 : memref<640xf32, #tpu.memory_space<vmem>>) dst(%dma_wait3A_74 : memref<640xf32, #tpu.memory_space<hbm>>)
      tpu.yield
    }) : () -> ()
    return
  }
}

#map = affine_map<(d0, d1) -> (0, 0)>
#map1 = affine_map<(d0, d1) -> (0, 0, 0)>
module attributes {stable_mosaic.version = 14 : i64} {
  func.func @gcn_msg_pass(%arg0: i32, %arg1: i32, %arg2: memref<10000x64xf32, #tpu.memory_space<hbm>>, %arg3: memref<32x80x125xi32, #tpu.memory_space<hbm>>, %arg4: memref<32x80x125xi32, #tpu.memory_space<hbm>>, %arg5: memref<10000x64xf32, #tpu.memory_space<hbm>>, %arg6: memref<2x10000x64xf32, #tpu.memory_space<hbm>>, %arg7: memref<80x125xi32, #tpu.memory_space<vmem>>, %arg8: memref<80x125xi32, #tpu.memory_space<vmem>>, %arg9: memref<125x64xf32, #tpu.memory_space<vmem>>, %arg10: memref<125x64xf32, #tpu.memory_space<vmem>>, %arg11: memref<10000x64xf32, #tpu.memory_space<vmem_shared>>, %arg12: memref<!tpu.dma_semaphore, #tpu.memory_space<semaphore_mem>>, %arg13: memref<!tpu.dma_semaphore, #tpu.memory_space<semaphore_mem>>, %arg14: memref<!tpu.dma_semaphore, #tpu.memory_space<semaphore_mem>>, %arg15: memref<!tpu.dma_semaphore, #tpu.memory_space<semaphore_mem>>) attributes {dimension_semantics = [#tpu.dimension_semantics<core_parallel>, #tpu.dimension_semantics<subcore_parallel>], iteration_bounds = array<i64: 2, 16>, scalar_prefetch = 0 : i64, scratch_operands = 9 : i64, tpu.core_type = #tpu.core_type<sc_vector_subcore>, window_params = [{transform_indices = #map}, {transform_indices = #map1}, {transform_indices = #map1}, {transform_indices = #map}, {transform_indices = #map1}]} {
    %mul3A = arith.constant 16 : i32
    %mul3A_0 = arith.muli %arg0, %mul3A : i32
    %add3A = arith.addi %mul3A_0, %arg1 : i32
    %mul3A_1 = arith.constant 625 : i32
    %mul3A_2 = arith.muli %arg1, %mul3A_1 : i32
    "tpu.region"() ({
      %run_scoped3A = tpu.sem_alloc : memref<!tpu.dma_semaphore, #tpu.memory_space<semaphore_mem>>
      %dma_start3A_64 = arith.constant 0 : i32
      %dma_start3A_65 = tpu.memref_slice %arg11[%mul3A_2, %dma_start3A_64] : memref<10000x64xf32, #tpu.memory_space<vmem_shared>> -> memref<625x64xf32, #tpu.memory_space<vmem_shared>>
      %dma_start3A_66 = arith.constant 0 : i32
      %dma_start3A_67 = tpu.memref_slice %arg5[%mul3A_2, %dma_start3A_66] : memref<10000x64xf32, #tpu.memory_space<hbm>> -> memref<625x64xf32, #tpu.memory_space<hbm>>
      tpu.enqueue_dma source(%dma_start3A_67 : memref<625x64xf32, #tpu.memory_space<hbm>>) target(%dma_start3A_65 : memref<625x64xf32, #tpu.memory_space<vmem_shared>>) target_semaphore(%run_scoped3A : memref<!tpu.dma_semaphore, #tpu.memory_space<semaphore_mem>>)
      %dma_wait3A_68 = arith.constant 0 : i32
      %dma_wait3A_69 = tpu.memref_slice %arg11[%mul3A_2, %dma_wait3A_68] : memref<10000x64xf32, #tpu.memory_space<vmem_shared>> -> memref<625x64xf32, #tpu.memory_space<vmem_shared>>
      %dma_wait3A_70 = arith.constant 0 : i32
      %dma_wait3A_71 = tpu.memref_slice %arg5[%mul3A_2, %dma_wait3A_70] : memref<10000x64xf32, #tpu.memory_space<hbm>> -> memref<625x64xf32, #tpu.memory_space<hbm>>
      tpu.wait_dma2 semaphore(%run_scoped3A : memref<!tpu.dma_semaphore, #tpu.memory_space<semaphore_mem>>) src(%dma_wait3A_71 : memref<625x64xf32, #tpu.memory_space<hbm>>) dst(%dma_wait3A_69 : memref<625x64xf32, #tpu.memory_space<vmem_shared>>)
      tpu.yield
    }) : () -> ()
    "tpu.region"() ({
      %run_scoped3A = tpu.sem_alloc : memref<!tpu.dma_semaphore, #tpu.memory_space<semaphore_mem>>
      %dma_start3A_64 = arith.constant 0 : i32
      %dma_start3A_65 = arith.constant 0 : i32
      %dma_start3A_66 = tpu.memref_slice %arg3[%add3A, %dma_start3A_64, %dma_start3A_65] : memref<32x80x125xi32, #tpu.memory_space<hbm>> -> memref<1x80x125xi32, #tpu.memory_space<hbm>>
      %dma_start3A_67 = tpu.memref_squeeze %dma_start3A_66 : memref<1x80x125xi32, #tpu.memory_space<hbm>> -> memref<80x125xi32, #tpu.memory_space<hbm>>
      %dma_start3A_68 = arith.constant 0 : i32
      %dma_start3A_69 = arith.constant 0 : i32
      %dma_start3A_70 = tpu.memref_slice %arg3[%add3A, %dma_start3A_68, %dma_start3A_69] : memref<32x80x125xi32, #tpu.memory_space<hbm>> -> memref<1x80x125xi32, #tpu.memory_space<hbm>>
      %dma_start3A_71 = tpu.memref_squeeze %dma_start3A_70 : memref<1x80x125xi32, #tpu.memory_space<hbm>> -> memref<80x125xi32, #tpu.memory_space<hbm>>
      tpu.enqueue_dma source(%dma_start3A_71 : memref<80x125xi32, #tpu.memory_space<hbm>>) target(%arg7 : memref<80x125xi32, #tpu.memory_space<vmem>>) target_semaphore(%run_scoped3A : memref<!tpu.dma_semaphore, #tpu.memory_space<semaphore_mem>>)
      %dma_wait3A_72 = arith.constant 0 : i32
      %dma_wait3A_73 = arith.constant 0 : i32
      %dma_wait3A_74 = tpu.memref_slice %arg3[%add3A, %dma_wait3A_72, %dma_wait3A_73] : memref<32x80x125xi32, #tpu.memory_space<hbm>> -> memref<1x80x125xi32, #tpu.memory_space<hbm>>
      %dma_wait3A_75 = tpu.memref_squeeze %dma_wait3A_74 : memref<1x80x125xi32, #tpu.memory_space<hbm>> -> memref<80x125xi32, #tpu.memory_space<hbm>>
      %dma_wait3A_76 = arith.constant 0 : i32
      %dma_wait3A_77 = arith.constant 0 : i32
      %dma_wait3A_78 = tpu.memref_slice %arg3[%add3A, %dma_wait3A_76, %dma_wait3A_77] : memref<32x80x125xi32, #tpu.memory_space<hbm>> -> memref<1x80x125xi32, #tpu.memory_space<hbm>>
      %dma_wait3A_79 = tpu.memref_squeeze %dma_wait3A_78 : memref<1x80x125xi32, #tpu.memory_space<hbm>> -> memref<80x125xi32, #tpu.memory_space<hbm>>
      tpu.wait_dma2 semaphore(%run_scoped3A : memref<!tpu.dma_semaphore, #tpu.memory_space<semaphore_mem>>) src(%dma_wait3A_79 : memref<80x125xi32, #tpu.memory_space<hbm>>) dst(%arg7 : memref<80x125xi32, #tpu.memory_space<vmem>>)
      tpu.yield
    }) : () -> ()
    "tpu.region"() ({
      %run_scoped3A = tpu.sem_alloc : memref<!tpu.dma_semaphore, #tpu.memory_space<semaphore_mem>>
      %dma_start3A_64 = arith.constant 0 : i32
      %dma_start3A_65 = arith.constant 0 : i32
      %dma_start3A_66 = tpu.memref_slice %arg4[%add3A, %dma_start3A_64, %dma_start3A_65] : memref<32x80x125xi32, #tpu.memory_space<hbm>> -> memref<1x80x125xi32, #tpu.memory_space<hbm>>
      %dma_start3A_67 = tpu.memref_squeeze %dma_start3A_66 : memref<1x80x125xi32, #tpu.memory_space<hbm>> -> memref<80x125xi32, #tpu.memory_space<hbm>>
      %dma_start3A_68 = arith.constant 0 : i32
      %dma_start3A_69 = arith.constant 0 : i32
      %dma_start3A_70 = tpu.memref_slice %arg4[%add3A, %dma_start3A_68, %dma_start3A_69] : memref<32x80x125xi32, #tpu.memory_space<hbm>> -> memref<1x80x125xi32, #tpu.memory_space<hbm>>
      %dma_start3A_71 = tpu.memref_squeeze %dma_start3A_70 : memref<1x80x125xi32, #tpu.memory_space<hbm>> -> memref<80x125xi32, #tpu.memory_space<hbm>>
      tpu.enqueue_dma source(%dma_start3A_71 : memref<80x125xi32, #tpu.memory_space<hbm>>) target(%arg8 : memref<80x125xi32, #tpu.memory_space<vmem>>) target_semaphore(%run_scoped3A : memref<!tpu.dma_semaphore, #tpu.memory_space<semaphore_mem>>)
      %dma_wait3A_72 = arith.constant 0 : i32
      %dma_wait3A_73 = arith.constant 0 : i32
      %dma_wait3A_74 = tpu.memref_slice %arg4[%add3A, %dma_wait3A_72, %dma_wait3A_73] : memref<32x80x125xi32, #tpu.memory_space<hbm>> -> memref<1x80x125xi32, #tpu.memory_space<hbm>>
      %dma_wait3A_75 = tpu.memref_squeeze %dma_wait3A_74 : memref<1x80x125xi32, #tpu.memory_space<hbm>> -> memref<80x125xi32, #tpu.memory_space<hbm>>
      %dma_wait3A_76 = arith.constant 0 : i32
      %dma_wait3A_77 = arith.constant 0 : i32
      %dma_wait3A_78 = tpu.memref_slice %arg4[%add3A, %dma_wait3A_76, %dma_wait3A_77] : memref<32x80x125xi32, #tpu.memory_space<hbm>> -> memref<1x80x125xi32, #tpu.memory_space<hbm>>
      %dma_wait3A_79 = tpu.memref_squeeze %dma_wait3A_78 : memref<1x80x125xi32, #tpu.memory_space<hbm>> -> memref<80x125xi32, #tpu.memory_space<hbm>>
      tpu.wait_dma2 semaphore(%run_scoped3A : memref<!tpu.dma_semaphore, #tpu.memory_space<semaphore_mem>>) src(%dma_wait3A_79 : memref<80x125xi32, #tpu.memory_space<hbm>>) dst(%arg8 : memref<80x125xi32, #tpu.memory_space<vmem>>)
      tpu.yield
    }) : () -> ()
    %barrier3A = arith.constant 0 : index
    tpu.barrier barrier_id(%barrier3A)
    %dma_start3A = arith.constant 0 : i32
    %dma_start3A_3 = arith.constant 0 : i32
    %dma_start3A_4 = tpu.memref_slice %arg7[%dma_start3A, %dma_start3A_3] : memref<80x125xi32, #tpu.memory_space<vmem>> -> memref<1x125xi32, #tpu.memory_space<vmem>>
    %dma_start3A_5 = tpu.memref_squeeze %dma_start3A_4 : memref<1x125xi32, #tpu.memory_space<vmem>> -> memref<125xi32, #tpu.memory_space<vmem>>
    %dma_start3A_6 = arith.constant 0 : i32
    %dma_start3A_7 = arith.constant 0 : i32
    %dma_start3A_8 = tpu.memref_slice %arg2[%dma_start3A_6, %dma_start3A_7] : memref<10000x64xf32, #tpu.memory_space<hbm>> -> memref<10000x64xf32, #tpu.memory_space<hbm>>
    tpu.enqueue_indirect_dma source(%dma_start3A_8 : memref<10000x64xf32, #tpu.memory_space<hbm>>) target(%arg9 : memref<125x64xf32, #tpu.memory_space<vmem>>) offsets(%dma_start3A_5 : memref<125xi32, #tpu.memory_space<vmem>>) semaphore(%arg12 : memref<!tpu.dma_semaphore, #tpu.memory_space<semaphore_mem>>)
    %dma_start3A_9 = arith.constant 1 : i32
    %dma_start3A_10 = arith.constant 0 : i32
    %dma_start3A_11 = tpu.memref_slice %arg7[%dma_start3A_9, %dma_start3A_10] : memref<80x125xi32, #tpu.memory_space<vmem>> -> memref<1x125xi32, #tpu.memory_space<vmem>>
    %dma_start3A_12 = tpu.memref_squeeze %dma_start3A_11 : memref<1x125xi32, #tpu.memory_space<vmem>> -> memref<125xi32, #tpu.memory_space<vmem>>
    %dma_start3A_13 = arith.constant 0 : i32
    %dma_start3A_14 = arith.constant 0 : i32
    %dma_start3A_15 = tpu.memref_slice %arg2[%dma_start3A_13, %dma_start3A_14] : memref<10000x64xf32, #tpu.memory_space<hbm>> -> memref<10000x64xf32, #tpu.memory_space<hbm>>
    tpu.enqueue_indirect_dma source(%dma_start3A_15 : memref<10000x64xf32, #tpu.memory_space<hbm>>) target(%arg10 : memref<125x64xf32, #tpu.memory_space<vmem>>) offsets(%dma_start3A_12 : memref<125xi32, #tpu.memory_space<vmem>>) semaphore(%arg13 : memref<!tpu.dma_semaphore, #tpu.memory_space<semaphore_mem>>)
    %scan3A = arith.constant 0 : i32
    %scan3A_16 = arith.constant 0 : i32
    %scan3A_17 = arith.constant 39 : i32
    %scan3A_18 = arith.addi %scan3A_16, %scan3A_17 : i32
    %scan3A_19 = arith.constant 1 : i32
    %scan3A_20 = scf.for %scan3A_64 = %scan3A_16 to %scan3A_18 step %scan3A_19 iter_args(%scan3A_65 = %scan3A) -> (i32)  : i32 {
      %mul3A_66 = arith.constant 2 : i32
      %mul3A_67 = arith.muli %mul3A_66, %scan3A_64 : i32
      %dma_wait3A_68 = arith.constant 0 : i32
      %dma_wait3A_69 = tpu.memref_slice %arg7[%mul3A_67, %dma_wait3A_68] : memref<80x125xi32, #tpu.memory_space<vmem>> -> memref<1x125xi32, #tpu.memory_space<vmem>>
      %dma_wait3A_70 = tpu.memref_squeeze %dma_wait3A_69 : memref<1x125xi32, #tpu.memory_space<vmem>> -> memref<125xi32, #tpu.memory_space<vmem>>
      %dma_wait3A_71 = arith.constant 0 : i32
      %dma_wait3A_72 = arith.constant 0 : i32
      %dma_wait3A_73 = tpu.memref_slice %arg2[%dma_wait3A_71, %dma_wait3A_72] : memref<10000x64xf32, #tpu.memory_space<hbm>> -> memref<10000x64xf32, #tpu.memory_space<hbm>>
      tpu.wait_indirect_dma semaphore(%arg12 : memref<!tpu.dma_semaphore, #tpu.memory_space<semaphore_mem>>) src(%dma_wait3A_73 : memref<10000x64xf32, #tpu.memory_space<hbm>>) dst(%arg9 : memref<125x64xf32, #tpu.memory_space<vmem>>)
      %dma_start3A_74 = arith.constant 0 : i32
      %dma_start3A_75 = tpu.memref_slice %arg8[%mul3A_67, %dma_start3A_74] : memref<80x125xi32, #tpu.memory_space<vmem>> -> memref<1x125xi32, #tpu.memory_space<vmem>>
      %dma_start3A_76 = tpu.memref_squeeze %dma_start3A_75 : memref<1x125xi32, #tpu.memory_space<vmem>> -> memref<125xi32, #tpu.memory_space<vmem>>
      %dma_start3A_77 = arith.constant 0 : i32
      %dma_start3A_78 = arith.constant 0 : i32
      %dma_start3A_79 = tpu.memref_slice %arg11[%dma_start3A_77, %dma_start3A_78] : memref<10000x64xf32, #tpu.memory_space<vmem_shared>> -> memref<10000x64xf32, #tpu.memory_space<vmem_shared>>
      tpu.enqueue_indirect_dma source(%arg9 : memref<125x64xf32, #tpu.memory_space<vmem>>) target(%dma_start3A_79 : memref<10000x64xf32, #tpu.memory_space<vmem_shared>>) offsets(%dma_start3A_76 : memref<125xi32, #tpu.memory_space<vmem>>) semaphore(%arg14 : memref<!tpu.dma_semaphore, #tpu.memory_space<semaphore_mem>>) {add = true}
      %add3A_80 = arith.constant 1 : i32
      %add3A_81 = arith.addi %mul3A_67, %add3A_80 : i32
      %dma_wait3A_82 = arith.constant 0 : i32
      %dma_wait3A_83 = tpu.memref_slice %arg7[%add3A_81, %dma_wait3A_82] : memref<80x125xi32, #tpu.memory_space<vmem>> -> memref<1x125xi32, #tpu.memory_space<vmem>>
      %dma_wait3A_84 = tpu.memref_squeeze %dma_wait3A_83 : memref<1x125xi32, #tpu.memory_space<vmem>> -> memref<125xi32, #tpu.memory_space<vmem>>
      %dma_wait3A_85 = arith.constant 0 : i32
      %dma_wait3A_86 = arith.constant 0 : i32
      %dma_wait3A_87 = tpu.memref_slice %arg2[%dma_wait3A_85, %dma_wait3A_86] : memref<10000x64xf32, #tpu.memory_space<hbm>> -> memref<10000x64xf32, #tpu.memory_space<hbm>>
      tpu.wait_indirect_dma semaphore(%arg13 : memref<!tpu.dma_semaphore, #tpu.memory_space<semaphore_mem>>) src(%dma_wait3A_87 : memref<10000x64xf32, #tpu.memory_space<hbm>>) dst(%arg10 : memref<125x64xf32, #tpu.memory_space<vmem>>)
      %add3A_88 = arith.constant 1 : i32
      %add3A_89 = arith.addi %mul3A_67, %add3A_88 : i32
      %dma_start3A_90 = arith.constant 0 : i32
      %dma_start3A_91 = tpu.memref_slice %arg8[%add3A_89, %dma_start3A_90] : memref<80x125xi32, #tpu.memory_space<vmem>> -> memref<1x125xi32, #tpu.memory_space<vmem>>
      %dma_start3A_92 = tpu.memref_squeeze %dma_start3A_91 : memref<1x125xi32, #tpu.memory_space<vmem>> -> memref<125xi32, #tpu.memory_space<vmem>>
      %dma_start3A_93 = arith.constant 0 : i32
      %dma_start3A_94 = arith.constant 0 : i32
      %dma_start3A_95 = tpu.memref_slice %arg11[%dma_start3A_93, %dma_start3A_94] : memref<10000x64xf32, #tpu.memory_space<vmem_shared>> -> memref<10000x64xf32, #tpu.memory_space<vmem_shared>>
      tpu.enqueue_indirect_dma source(%arg10 : memref<125x64xf32, #tpu.memory_space<vmem>>) target(%dma_start3A_95 : memref<10000x64xf32, #tpu.memory_space<vmem_shared>>) offsets(%dma_start3A_92 : memref<125xi32, #tpu.memory_space<vmem>>) semaphore(%arg15 : memref<!tpu.dma_semaphore, #tpu.memory_space<semaphore_mem>>) {add = true}
      %dma_wait3A_96 = arith.constant 0 : i32
      %dma_wait3A_97 = tpu.memref_slice %arg8[%mul3A_67, %dma_wait3A_96] : memref<80x125xi32, #tpu.memory_space<vmem>> -> memref<1x125xi32, #tpu.memory_space<vmem>>
      %dma_wait3A_98 = tpu.memref_squeeze %dma_wait3A_97 : memref<1x125xi32, #tpu.memory_space<vmem>> -> memref<125xi32, #tpu.memory_space<vmem>>
      %dma_wait3A_99 = arith.constant 0 : i32
      %dma_wait3A_100 = arith.constant 0 : i32
      %dma_wait3A_101 = tpu.memref_slice %arg11[%dma_wait3A_99, %dma_wait3A_100] : memref<10000x64xf32, #tpu.memory_space<vmem_shared>> -> memref<10000x64xf32, #tpu.memory_space<vmem_shared>>
      tpu.wait_indirect_dma semaphore(%arg14 : memref<!tpu.dma_semaphore, #tpu.memory_space<semaphore_mem>>) src(%arg9 : memref<125x64xf32, #tpu.memory_space<vmem>>) dst(%dma_wait3A_101 : memref<10000x64xf32, #tpu.memory_space<vmem_shared>>)
      %add3A_102 = arith.constant 2 : i32
      %add3A_103 = arith.addi %mul3A_67, %add3A_102 : i32
      %dma_start3A_104 = arith.constant 0 : i32
      %dma_start3A_105 = tpu.memref_slice %arg7[%add3A_103, %dma_start3A_104] : memref<80x125xi32, #tpu.memory_space<vmem>> -> memref<1x125xi32, #tpu.memory_space<vmem>>
      %dma_start3A_106 = tpu.memref_squeeze %dma_start3A_105 : memref<1x125xi32, #tpu.memory_space<vmem>> -> memref<125xi32, #tpu.memory_space<vmem>>
      %dma_start3A_107 = arith.constant 0 : i32
      %dma_start3A_108 = arith.constant 0 : i32
      %dma_start3A_109 = tpu.memref_slice %arg2[%dma_start3A_107, %dma_start3A_108] : memref<10000x64xf32, #tpu.memory_space<hbm>> -> memref<10000x64xf32, #tpu.memory_space<hbm>>
      tpu.enqueue_indirect_dma source(%dma_start3A_109 : memref<10000x64xf32, #tpu.memory_space<hbm>>) target(%arg9 : memref<125x64xf32, #tpu.memory_space<vmem>>) offsets(%dma_start3A_106 : memref<125xi32, #tpu.memory_space<vmem>>) semaphore(%arg12 : memref<!tpu.dma_semaphore, #tpu.memory_space<semaphore_mem>>)
      %add3A_110 = arith.constant 1 : i32
      %add3A_111 = arith.addi %mul3A_67, %add3A_110 : i32
      %dma_wait3A_112 = arith.constant 0 : i32
      %dma_wait3A_113 = tpu.memref_slice %arg8[%add3A_111, %dma_wait3A_112] : memref<80x125xi32, #tpu.memory_space<vmem>> -> memref<1x125xi32, #tpu.memory_space<vmem>>
      %dma_wait3A_114 = tpu.memref_squeeze %dma_wait3A_113 : memref<1x125xi32, #tpu.memory_space<vmem>> -> memref<125xi32, #tpu.memory_space<vmem>>
      %dma_wait3A_115 = arith.constant 0 : i32
      %dma_wait3A_116 = arith.constant 0 : i32
      %dma_wait3A_117 = tpu.memref_slice %arg11[%dma_wait3A_115, %dma_wait3A_116] : memref<10000x64xf32, #tpu.memory_space<vmem_shared>> -> memref<10000x64xf32, #tpu.memory_space<vmem_shared>>
      tpu.wait_indirect_dma semaphore(%arg15 : memref<!tpu.dma_semaphore, #tpu.memory_space<semaphore_mem>>) src(%arg10 : memref<125x64xf32, #tpu.memory_space<vmem>>) dst(%dma_wait3A_117 : memref<10000x64xf32, #tpu.memory_space<vmem_shared>>)
      %add3A_118 = arith.constant 3 : i32
      %add3A_119 = arith.addi %mul3A_67, %add3A_118 : i32
      %dma_start3A_120 = arith.constant 0 : i32
      %dma_start3A_121 = tpu.memref_slice %arg7[%add3A_119, %dma_start3A_120] : memref<80x125xi32, #tpu.memory_space<vmem>> -> memref<1x125xi32, #tpu.memory_space<vmem>>
      %dma_start3A_122 = tpu.memref_squeeze %dma_start3A_121 : memref<1x125xi32, #tpu.memory_space<vmem>> -> memref<125xi32, #tpu.memory_space<vmem>>
      %dma_start3A_123 = arith.constant 0 : i32
      %dma_start3A_124 = arith.constant 0 : i32
      %dma_start3A_125 = tpu.memref_slice %arg2[%dma_start3A_123, %dma_start3A_124] : memref<10000x64xf32, #tpu.memory_space<hbm>> -> memref<10000x64xf32, #tpu.memory_space<hbm>>
      tpu.enqueue_indirect_dma source(%dma_start3A_125 : memref<10000x64xf32, #tpu.memory_space<hbm>>) target(%arg10 : memref<125x64xf32, #tpu.memory_space<vmem>>) offsets(%dma_start3A_122 : memref<125xi32, #tpu.memory_space<vmem>>) semaphore(%arg13 : memref<!tpu.dma_semaphore, #tpu.memory_space<semaphore_mem>>)
      %scan3A_126 = arith.constant 0 : i32
      scf.yield %scan3A_126 : i32
    }
    %scan3A_21 = arith.constant 39 : i32
    %dma_wait3A = arith.constant 78 : i32
    %dma_wait3A_22 = arith.constant 0 : i32
    %dma_wait3A_23 = tpu.memref_slice %arg7[%dma_wait3A, %dma_wait3A_22] : memref<80x125xi32, #tpu.memory_space<vmem>> -> memref<1x125xi32, #tpu.memory_space<vmem>>
    %dma_wait3A_24 = tpu.memref_squeeze %dma_wait3A_23 : memref<1x125xi32, #tpu.memory_space<vmem>> -> memref<125xi32, #tpu.memory_space<vmem>>
    %dma_wait3A_25 = arith.constant 0 : i32
    %dma_wait3A_26 = arith.constant 0 : i32
    %dma_wait3A_27 = tpu.memref_slice %arg2[%dma_wait3A_25, %dma_wait3A_26] : memref<10000x64xf32, #tpu.memory_space<hbm>> -> memref<10000x64xf32, #tpu.memory_space<hbm>>
    tpu.wait_indirect_dma semaphore(%arg12 : memref<!tpu.dma_semaphore, #tpu.memory_space<semaphore_mem>>) src(%dma_wait3A_27 : memref<10000x64xf32, #tpu.memory_space<hbm>>) dst(%arg9 : memref<125x64xf32, #tpu.memory_space<vmem>>)
    %dma_start3A_28 = arith.constant 78 : i32
    %dma_start3A_29 = arith.constant 0 : i32
    %dma_start3A_30 = tpu.memref_slice %arg8[%dma_start3A_28, %dma_start3A_29] : memref<80x125xi32, #tpu.memory_space<vmem>> -> memref<1x125xi32, #tpu.memory_space<vmem>>
    %dma_start3A_31 = tpu.memref_squeeze %dma_start3A_30 : memref<1x125xi32, #tpu.memory_space<vmem>> -> memref<125xi32, #tpu.memory_space<vmem>>
    %dma_start3A_32 = arith.constant 0 : i32
    %dma_start3A_33 = arith.constant 0 : i32
    %dma_start3A_34 = tpu.memref_slice %arg11[%dma_start3A_32, %dma_start3A_33] : memref<10000x64xf32, #tpu.memory_space<vmem_shared>> -> memref<10000x64xf32, #tpu.memory_space<vmem_shared>>
    tpu.enqueue_indirect_dma source(%arg9 : memref<125x64xf32, #tpu.memory_space<vmem>>) target(%dma_start3A_34 : memref<10000x64xf32, #tpu.memory_space<vmem_shared>>) offsets(%dma_start3A_31 : memref<125xi32, #tpu.memory_space<vmem>>) semaphore(%arg14 : memref<!tpu.dma_semaphore, #tpu.memory_space<semaphore_mem>>) {add = true}
    %dma_wait3A_35 = arith.constant 79 : i32
    %dma_wait3A_36 = arith.constant 0 : i32
    %dma_wait3A_37 = tpu.memref_slice %arg7[%dma_wait3A_35, %dma_wait3A_36] : memref<80x125xi32, #tpu.memory_space<vmem>> -> memref<1x125xi32, #tpu.memory_space<vmem>>
    %dma_wait3A_38 = tpu.memref_squeeze %dma_wait3A_37 : memref<1x125xi32, #tpu.memory_space<vmem>> -> memref<125xi32, #tpu.memory_space<vmem>>
    %dma_wait3A_39 = arith.constant 0 : i32
    %dma_wait3A_40 = arith.constant 0 : i32
    %dma_wait3A_41 = tpu.memref_slice %arg2[%dma_wait3A_39, %dma_wait3A_40] : memref<10000x64xf32, #tpu.memory_space<hbm>> -> memref<10000x64xf32, #tpu.memory_space<hbm>>
    tpu.wait_indirect_dma semaphore(%arg13 : memref<!tpu.dma_semaphore, #tpu.memory_space<semaphore_mem>>) src(%dma_wait3A_41 : memref<10000x64xf32, #tpu.memory_space<hbm>>) dst(%arg10 : memref<125x64xf32, #tpu.memory_space<vmem>>)
    %dma_start3A_42 = arith.constant 79 : i32
    %dma_start3A_43 = arith.constant 0 : i32
    %dma_start3A_44 = tpu.memref_slice %arg8[%dma_start3A_42, %dma_start3A_43] : memref<80x125xi32, #tpu.memory_space<vmem>> -> memref<1x125xi32, #tpu.memory_space<vmem>>
    %dma_start3A_45 = tpu.memref_squeeze %dma_start3A_44 : memref<1x125xi32, #tpu.memory_space<vmem>> -> memref<125xi32, #tpu.memory_space<vmem>>
    %dma_start3A_46 = arith.constant 0 : i32
    %dma_start3A_47 = arith.constant 0 : i32
    %dma_start3A_48 = tpu.memref_slice %arg11[%dma_start3A_46, %dma_start3A_47] : memref<10000x64xf32, #tpu.memory_space<vmem_shared>> -> memref<10000x64xf32, #tpu.memory_space<vmem_shared>>
    tpu.enqueue_indirect_dma source(%arg10 : memref<125x64xf32, #tpu.memory_space<vmem>>) target(%dma_start3A_48 : memref<10000x64xf32, #tpu.memory_space<vmem_shared>>) offsets(%dma_start3A_45 : memref<125xi32, #tpu.memory_space<vmem>>) semaphore(%arg15 : memref<!tpu.dma_semaphore, #tpu.memory_space<semaphore_mem>>) {add = true}
    %dma_wait3A_49 = arith.constant 78 : i32
    %dma_wait3A_50 = arith.constant 0 : i32
    %dma_wait3A_51 = tpu.memref_slice %arg8[%dma_wait3A_49, %dma_wait3A_50] : memref<80x125xi32, #tpu.memory_space<vmem>> -> memref<1x125xi32, #tpu.memory_space<vmem>>
    %dma_wait3A_52 = tpu.memref_squeeze %dma_wait3A_51 : memref<1x125xi32, #tpu.memory_space<vmem>> -> memref<125xi32, #tpu.memory_space<vmem>>
    %dma_wait3A_53 = arith.constant 0 : i32
    %dma_wait3A_54 = arith.constant 0 : i32
    %dma_wait3A_55 = tpu.memref_slice %arg11[%dma_wait3A_53, %dma_wait3A_54] : memref<10000x64xf32, #tpu.memory_space<vmem_shared>> -> memref<10000x64xf32, #tpu.memory_space<vmem_shared>>
    tpu.wait_indirect_dma semaphore(%arg14 : memref<!tpu.dma_semaphore, #tpu.memory_space<semaphore_mem>>) src(%arg9 : memref<125x64xf32, #tpu.memory_space<vmem>>) dst(%dma_wait3A_55 : memref<10000x64xf32, #tpu.memory_space<vmem_shared>>)
    %dma_wait3A_56 = arith.constant 79 : i32
    %dma_wait3A_57 = arith.constant 0 : i32
    %dma_wait3A_58 = tpu.memref_slice %arg8[%dma_wait3A_56, %dma_wait3A_57] : memref<80x125xi32, #tpu.memory_space<vmem>> -> memref<1x125xi32, #tpu.memory_space<vmem>>
    %dma_wait3A_59 = tpu.memref_squeeze %dma_wait3A_58 : memref<1x125xi32, #tpu.memory_space<vmem>> -> memref<125xi32, #tpu.memory_space<vmem>>
    %dma_wait3A_60 = arith.constant 0 : i32
    %dma_wait3A_61 = arith.constant 0 : i32
    %dma_wait3A_62 = tpu.memref_slice %arg11[%dma_wait3A_60, %dma_wait3A_61] : memref<10000x64xf32, #tpu.memory_space<vmem_shared>> -> memref<10000x64xf32, #tpu.memory_space<vmem_shared>>
    tpu.wait_indirect_dma semaphore(%arg15 : memref<!tpu.dma_semaphore, #tpu.memory_space<semaphore_mem>>) src(%arg10 : memref<125x64xf32, #tpu.memory_space<vmem>>) dst(%dma_wait3A_62 : memref<10000x64xf32, #tpu.memory_space<vmem_shared>>)
    %barrier3A_63 = arith.constant 0 : index
    tpu.barrier barrier_id(%barrier3A_63)
    "tpu.region"() ({
      %run_scoped3A = tpu.sem_alloc : memref<!tpu.dma_semaphore, #tpu.memory_space<semaphore_mem>>
      %dma_start3A_64 = arith.constant 0 : i32
      %dma_start3A_65 = tpu.memref_slice %arg6[%arg0, %mul3A_2, %dma_start3A_64] : memref<2x10000x64xf32, #tpu.memory_space<hbm>> -> memref<1x625x64xf32, #tpu.memory_space<hbm>>
      %dma_start3A_66 = tpu.memref_squeeze %dma_start3A_65 : memref<1x625x64xf32, #tpu.memory_space<hbm>> -> memref<625x64xf32, #tpu.memory_space<hbm>>
      %dma_start3A_67 = arith.constant 0 : i32
      %dma_start3A_68 = tpu.memref_slice %arg11[%mul3A_2, %dma_start3A_67] : memref<10000x64xf32, #tpu.memory_space<vmem_shared>> -> memref<625x64xf32, #tpu.memory_space<vmem_shared>>
      tpu.enqueue_dma source(%dma_start3A_68 : memref<625x64xf32, #tpu.memory_space<vmem_shared>>) target(%dma_start3A_66 : memref<625x64xf32, #tpu.memory_space<hbm>>) target_semaphore(%run_scoped3A : memref<!tpu.dma_semaphore, #tpu.memory_space<semaphore_mem>>)
      %dma_wait3A_69 = arith.constant 0 : i32
      %dma_wait3A_70 = tpu.memref_slice %arg6[%arg0, %mul3A_2, %dma_wait3A_69] : memref<2x10000x64xf32, #tpu.memory_space<hbm>> -> memref<1x625x64xf32, #tpu.memory_space<hbm>>
      %dma_wait3A_71 = tpu.memref_squeeze %dma_wait3A_70 : memref<1x625x64xf32, #tpu.memory_space<hbm>> -> memref<625x64xf32, #tpu.memory_space<hbm>>
      %dma_wait3A_72 = arith.constant 0 : i32
      %dma_wait3A_73 = tpu.memref_slice %arg11[%mul3A_2, %dma_wait3A_72] : memref<10000x64xf32, #tpu.memory_space<vmem_shared>> -> memref<625x64xf32, #tpu.memory_space<vmem_shared>>
      tpu.wait_dma2 semaphore(%run_scoped3A : memref<!tpu.dma_semaphore, #tpu.memory_space<semaphore_mem>>) src(%dma_wait3A_73 : memref<625x64xf32, #tpu.memory_space<vmem_shared>>) dst(%dma_wait3A_71 : memref<625x64xf32, #tpu.memory_space<hbm>>)
      tpu.yield
    }) : () -> ()
    return
  }
}

#map = affine_map<(d0, d1) -> (0, 0)>
#map1 = affine_map<(d0, d1) -> (0)>
module attributes {stable_mosaic.version = 14 : i64} {
  func.func @gcn_select(%arg0: i32, %arg1: i32, %arg2: memref<10000x64xf32, #tpu.memory_space<hbm>>, %arg3: memref<1024xi32, #tpu.memory_space<hbm>>, %arg4: memref<1024x64xf32, #tpu.memory_space<hbm>>, %arg5: memref<32xi32, #tpu.memory_space<vmem>>, %arg6: memref<32x64xf32, #tpu.memory_space<vmem>>, %arg7: memref<!tpu.dma_semaphore, #tpu.memory_space<semaphore_mem>>) attributes {dimension_semantics = [#tpu.dimension_semantics<core_parallel>, #tpu.dimension_semantics<subcore_parallel>], iteration_bounds = array<i64: 2, 16>, scalar_prefetch = 0 : i64, scratch_operands = 3 : i64, tpu.core_type = #tpu.core_type<sc_vector_subcore>, window_params = [{transform_indices = #map}, {transform_indices = #map1}, {transform_indices = #map}]} {
    %mul3A = arith.constant 16 : i32
    %mul3A_0 = arith.muli %arg0, %mul3A : i32
    %add3A = arith.addi %mul3A_0, %arg1 : i32
    %mul3A_1 = arith.constant 32 : i32
    %mul3A_2 = arith.muli %add3A, %mul3A_1 : i32
    "tpu.region"() ({
      %run_scoped3A = tpu.sem_alloc : memref<!tpu.dma_semaphore, #tpu.memory_space<semaphore_mem>>
      %dma_start3A_7 = tpu.memref_slice %arg3[%mul3A_2] : memref<1024xi32, #tpu.memory_space<hbm>> -> memref<32xi32, #tpu.memory_space<hbm>>
      %dma_start3A_8 = tpu.memref_slice %arg3[%mul3A_2] : memref<1024xi32, #tpu.memory_space<hbm>> -> memref<32xi32, #tpu.memory_space<hbm>>
      tpu.enqueue_dma source(%dma_start3A_8 : memref<32xi32, #tpu.memory_space<hbm>>) target(%arg5 : memref<32xi32, #tpu.memory_space<vmem>>) target_semaphore(%run_scoped3A : memref<!tpu.dma_semaphore, #tpu.memory_space<semaphore_mem>>)
      %dma_wait3A_9 = tpu.memref_slice %arg3[%mul3A_2] : memref<1024xi32, #tpu.memory_space<hbm>> -> memref<32xi32, #tpu.memory_space<hbm>>
      %dma_wait3A_10 = tpu.memref_slice %arg3[%mul3A_2] : memref<1024xi32, #tpu.memory_space<hbm>> -> memref<32xi32, #tpu.memory_space<hbm>>
      tpu.wait_dma2 semaphore(%run_scoped3A : memref<!tpu.dma_semaphore, #tpu.memory_space<semaphore_mem>>) src(%dma_wait3A_10 : memref<32xi32, #tpu.memory_space<hbm>>) dst(%arg5 : memref<32xi32, #tpu.memory_space<vmem>>)
      tpu.yield
    }) : () -> ()
    %dma_start3A = arith.constant 0 : i32
    %dma_start3A_3 = arith.constant 0 : i32
    %dma_start3A_4 = tpu.memref_slice %arg2[%dma_start3A, %dma_start3A_3] : memref<10000x64xf32, #tpu.memory_space<hbm>> -> memref<10000x64xf32, #tpu.memory_space<hbm>>
    tpu.enqueue_indirect_dma source(%dma_start3A_4 : memref<10000x64xf32, #tpu.memory_space<hbm>>) target(%arg6 : memref<32x64xf32, #tpu.memory_space<vmem>>) offsets(%arg5 : memref<32xi32, #tpu.memory_space<vmem>>) semaphore(%arg7 : memref<!tpu.dma_semaphore, #tpu.memory_space<semaphore_mem>>)
    %dma_wait3A = arith.constant 0 : i32
    %dma_wait3A_5 = arith.constant 0 : i32
    %dma_wait3A_6 = tpu.memref_slice %arg2[%dma_wait3A, %dma_wait3A_5] : memref<10000x64xf32, #tpu.memory_space<hbm>> -> memref<10000x64xf32, #tpu.memory_space<hbm>>
    tpu.wait_indirect_dma semaphore(%arg7 : memref<!tpu.dma_semaphore, #tpu.memory_space<semaphore_mem>>) src(%dma_wait3A_6 : memref<10000x64xf32, #tpu.memory_space<hbm>>) dst(%arg6 : memref<32x64xf32, #tpu.memory_space<vmem>>)
    "tpu.region"() ({
      %run_scoped3A = tpu.sem_alloc : memref<!tpu.dma_semaphore, #tpu.memory_space<semaphore_mem>>
      %dma_start3A_7 = arith.constant 0 : i32
      %dma_start3A_8 = tpu.memref_slice %arg4[%mul3A_2, %dma_start3A_7] : memref<1024x64xf32, #tpu.memory_space<hbm>> -> memref<32x64xf32, #tpu.memory_space<hbm>>
      %dma_start3A_9 = arith.constant 0 : i32
      %dma_start3A_10 = tpu.memref_slice %arg4[%mul3A_2, %dma_start3A_9] : memref<1024x64xf32, #tpu.memory_space<hbm>> -> memref<32x64xf32, #tpu.memory_space<hbm>>
      tpu.enqueue_dma source(%arg6 : memref<32x64xf32, #tpu.memory_space<vmem>>) target(%dma_start3A_10 : memref<32x64xf32, #tpu.memory_space<hbm>>) target_semaphore(%run_scoped3A : memref<!tpu.dma_semaphore, #tpu.memory_space<semaphore_mem>>)
      %dma_wait3A_11 = arith.constant 0 : i32
      %dma_wait3A_12 = tpu.memref_slice %arg4[%mul3A_2, %dma_wait3A_11] : memref<1024x64xf32, #tpu.memory_space<hbm>> -> memref<32x64xf32, #tpu.memory_space<hbm>>
      %dma_wait3A_13 = arith.constant 0 : i32
      %dma_wait3A_14 = tpu.memref_slice %arg4[%mul3A_2, %dma_wait3A_13] : memref<1024x64xf32, #tpu.memory_space<hbm>> -> memref<32x64xf32, #tpu.memory_space<hbm>>
      tpu.wait_dma2 semaphore(%run_scoped3A : memref<!tpu.dma_semaphore, #tpu.memory_space<semaphore_mem>>) src(%arg6 : memref<32x64xf32, #tpu.memory_space<vmem>>) dst(%dma_wait3A_14 : memref<32x64xf32, #tpu.memory_space<hbm>>)
      tpu.yield
    }) : () -> ()
    return
  }
}

module attributes {stable_mosaic.version = 14 : i64} {
  func.func @gcn_xw_dinv(%arg0: i32, %arg1: memref<1000x256xf32, #tpu.memory_space<vmem>>, %arg2: memref<256x128xf32, #tpu.memory_space<vmem>>, %arg3: memref<2x1000x2xf32, #tpu.memory_space<vmem>>, %arg4: memref<1000x128xf32, #tpu.memory_space<vmem>>) attributes {dimension_semantics = [#tpu.dimension_semantics<arbitrary>], iteration_bounds = array<i64: 5>, scalar_prefetch = 0 : i64, scratch_operands = 0 : i64, tpu.core_type = #tpu.core_type<tc>, window_params = [{transform_indices = @transform_0, window_bounds = array<i64: 1000, 256>}, {pipeline_mode = #tpu.pipeline_mode<synchronous>, transform_indices = @transform_1, window_bounds = array<i64: 256, 128>}, {transform_indices = @transform_2, window_bounds = array<i64: 2, 1000, 2>}, {transform_indices = @transform_3, window_bounds = array<i64: 1000, 128>}]} {
    %get3A = arith.constant 0 : index
    %get3A_0 = arith.constant 0 : index
    %get3A_1 = vector.load %arg1[%get3A, %get3A_0] : memref<1000x256xf32, #tpu.memory_space<vmem>>, vector<1000x256xf32>
    %get3A_2 = arith.constant 0 : index
    %get3A_3 = arith.constant 0 : index
    %get3A_4 = vector.load %arg2[%get3A_2, %get3A_3] : memref<256x128xf32, #tpu.memory_space<vmem>>, vector<256x128xf32>
    %dot_general3A = arith.constant dense<0.000000e+00> : vector<1000x128xf32>
    %dot_general3A_5 = tpu.matmul %get3A_1, %get3A_4, %dot_general3A {dimension_numbers = #tpu.dot_dimension_numbers<[1], [0], [0], [1], [0, 0, 1, 1], [], []>, transpose_lhs_hint = false} : vector<1000x256xf32>, vector<256x128xf32>, vector<1000x128xf32> -> vector<1000x128xf32>
    %get3A_6 = arith.constant 0 : index
    %get3A_7 = arith.constant 0 : index
    %get3A_8 = arith.constant 0 : index
    %get3A_9 = vector.load %arg3[%get3A_6, %get3A_7, %get3A_8] : memref<2x1000x2xf32, #tpu.memory_space<vmem>>, vector<1x1000x2xf32>
    %get3A_10 = vector.shape_cast %get3A_9 : vector<1x1000x2xf32> to vector<1000x2xf32>
    %get3A_11 = arith.constant 1 : index
    %get3A_12 = arith.constant 0 : index
    %get3A_13 = arith.constant 0 : index
    %get3A_14 = vector.load %arg3[%get3A_11, %get3A_12, %get3A_13] : memref<2x1000x2xf32, #tpu.memory_space<vmem>>, vector<1x1000x2xf32>
    %get3A_15 = vector.shape_cast %get3A_14 : vector<1x1000x2xf32> to vector<1000x2xf32>
    %add3A = arith.addf %get3A_10, %get3A_15 : vector<1000x2xf32>
    %add3A_16 = arith.constant 1.000000e+00 : f32
    %add3A_17 = vector.broadcast %add3A_16 : f32 to vector<1000x2xf32>
    %add3A_18 = arith.addf %add3A, %add3A_17 : vector<1000x2xf32>
    %rsqrt3A = math.rsqrt %add3A_18 : vector<1000x2xf32>
    %iota3A = tpu.iota {dimensions = array<i32: 1>} : vector<1x128xi32>
    %lt3A = arith.constant 64 : i32
    %lt3A_19 = vector.broadcast %lt3A : i32 to vector<1x128xi32>
    %lt3A_20 = arith.cmpi slt, %iota3A, %lt3A_19 : vector<1x128xi32>
    %slice3A = vector.extract_strided_slice %rsqrt3A {offsets = [0, 0], sizes = [1000, 1], strides = [1, 1]} : vector<1000x2xf32> to vector<1000x1xf32>
    %slice3A_21 = vector.extract_strided_slice %rsqrt3A {offsets = [0, 1], sizes = [1000, 1], strides = [1, 1]} : vector<1000x2xf32> to vector<1000x1xf32>
    %broadcast_in_dim3A = vector.shape_cast %lt3A_20 : vector<1x128xi1> to vector<1x128xi1>
    %broadcast_in_dim3A_22 = vector.broadcast %broadcast_in_dim3A : vector<1x128xi1> to vector<1000x128xi1>
    %broadcast_in_dim3A_23 = vector.shape_cast %slice3A : vector<1000x1xf32> to vector<1000x1xf32>
    %broadcast_in_dim3A_24 = vector.broadcast %broadcast_in_dim3A_23 : vector<1000x1xf32> to vector<1000x128xf32>
    %broadcast_in_dim3A_25 = vector.shape_cast %slice3A_21 : vector<1000x1xf32> to vector<1000x1xf32>
    %broadcast_in_dim3A_26 = vector.broadcast %broadcast_in_dim3A_25 : vector<1000x1xf32> to vector<1000x128xf32>
    %select_n3A = arith.select %broadcast_in_dim3A_22, %broadcast_in_dim3A_24, %broadcast_in_dim3A_26 : vector<1000x128xi1>, vector<1000x128xf32>
    %mul3A = arith.mulf %dot_general3A_5, %select_n3A : vector<1000x128xf32>
    %swap3A = arith.constant 0 : index
    %swap3A_27 = arith.constant 0 : index
    %swap3A_28 = vector.load %arg4[%swap3A, %swap3A_27] : memref<1000x128xf32, #tpu.memory_space<vmem>>, vector<1000x128xf32>
    tpu.vector_store %arg4[%swap3A, %swap3A_27], %mul3A {strides = array<i32>} : memref<1000x128xf32, #tpu.memory_space<vmem>>, vector<1000x128xf32>,
    return
  }
  func.func @transform_0(%arg0: i32) -> (i32, i32) {
    %c0_i32 = arith.constant 0 : i32
    %c0_i32_0 = arith.constant 0 : i32
    return %arg0, %c0_i32 : i32, i32
  }
  func.func @transform_1(%arg0: i32) -> (i32, i32) {
    %c0_i32 = arith.constant 0 : i32
    %c0_i32_0 = arith.constant 0 : i32
    %c0_i32_1 = arith.constant 0 : i32
    return %c0_i32, %c0_i32_0 : i32, i32
  }
  func.func @transform_2(%arg0: i32) -> (i32, i32, i32) {
    %c0_i32 = arith.constant 0 : i32
    %c0_i32_0 = arith.constant 0 : i32
    %c0_i32_1 = arith.constant 0 : i32
    return %c0_i32, %arg0, %c0_i32_0 : i32, i32, i32
  }
  func.func @transform_3(%arg0: i32) -> (i32, i32) {
    %c0_i32 = arith.constant 0 : i32
    %c0_i32_0 = arith.constant 0 : i32
    return %arg0, %c0_i32 : i32, i32
  }
}

module attributes {stable_mosaic.version = 14 : i64} {
  func.func @gcn_post_stats(%arg0: i32, %arg1: memref<1000x128xf32, #tpu.memory_space<vmem>>, %arg2: memref<1000x128xf32, #tpu.memory_space<vmem>>, %arg3: memref<1000x128xf32, #tpu.memory_space<vmem>>, %arg4: memref<2x1000x2xf32, #tpu.memory_space<vmem>>, %arg5: memref<1x128xf32, #tpu.memory_space<vmem>>, %arg6: memref<1000x128xf32, #tpu.memory_space<vmem>>, %arg7: memref<8x128xf32, #tpu.memory_space<vmem>>) attributes {dimension_semantics = [#tpu.dimension_semantics<arbitrary>], iteration_bounds = array<i64: 5>, scalar_prefetch = 0 : i64, scratch_operands = 0 : i64, tpu.core_type = #tpu.core_type<tc>, window_params = [{transform_indices = @transform_0, window_bounds = array<i64: 1000, 128>}, {transform_indices = @transform_1, window_bounds = array<i64: 1000, 128>}, {transform_indices = @transform_2, window_bounds = array<i64: 1000, 128>}, {transform_indices = @transform_3, window_bounds = array<i64: 2, 1000, 2>}, {pipeline_mode = #tpu.pipeline_mode<synchronous>, transform_indices = @transform_4, window_bounds = array<i64: 1, 128>}, {transform_indices = @transform_5, window_bounds = array<i64: 1000, 128>}, {pipeline_mode = #tpu.pipeline_mode<synchronous>, transform_indices = @transform_6, window_bounds = array<i64: 8, 128>}]} {
    %get3A = arith.constant 0 : index
    %get3A_0 = arith.constant 0 : index
    %get3A_1 = vector.load %arg1[%get3A, %get3A_0] : memref<1000x128xf32, #tpu.memory_space<vmem>>, vector<1000x128xf32>
    %get3A_2 = arith.constant 0 : index
    %get3A_3 = arith.constant 0 : index
    %get3A_4 = vector.load %arg2[%get3A_2, %get3A_3] : memref<1000x128xf32, #tpu.memory_space<vmem>>, vector<1000x128xf32>
    %add3A = arith.addf %get3A_1, %get3A_4 : vector<1000x128xf32>
    %get3A_5 = arith.constant 0 : index
    %get3A_6 = arith.constant 0 : index
    %get3A_7 = vector.load %arg3[%get3A_5, %get3A_6] : memref<1000x128xf32, #tpu.memory_space<vmem>>, vector<1000x128xf32>
    %add3A_8 = arith.addf %add3A, %get3A_7 : vector<1000x128xf32>
    %get3A_9 = arith.constant 0 : index
    %get3A_10 = arith.constant 0 : index
    %get3A_11 = arith.constant 0 : index
    %get3A_12 = vector.load %arg4[%get3A_9, %get3A_10, %get3A_11] : memref<2x1000x2xf32, #tpu.memory_space<vmem>>, vector<1x1000x2xf32>
    %get3A_13 = vector.shape_cast %get3A_12 : vector<1x1000x2xf32> to vector<1000x2xf32>
    %get3A_14 = arith.constant 1 : index
    %get3A_15 = arith.constant 0 : index
    %get3A_16 = arith.constant 0 : index
    %get3A_17 = vector.load %arg4[%get3A_14, %get3A_15, %get3A_16] : memref<2x1000x2xf32, #tpu.memory_space<vmem>>, vector<1x1000x2xf32>
    %get3A_18 = vector.shape_cast %get3A_17 : vector<1x1000x2xf32> to vector<1000x2xf32>
    %add3A_19 = arith.addf %get3A_13, %get3A_18 : vector<1000x2xf32>
    %add3A_20 = arith.constant 1.000000e+00 : f32
    %add3A_21 = vector.broadcast %add3A_20 : f32 to vector<1000x2xf32>
    %add3A_22 = arith.addf %add3A_19, %add3A_21 : vector<1000x2xf32>
    %rsqrt3A = math.rsqrt %add3A_22 : vector<1000x2xf32>
    %iota3A = tpu.iota {dimensions = array<i32: 1>} : vector<1x128xi32>
    %lt3A = arith.constant 64 : i32
    %lt3A_23 = vector.broadcast %lt3A : i32 to vector<1x128xi32>
    %lt3A_24 = arith.cmpi slt, %iota3A, %lt3A_23 : vector<1x128xi32>
    %slice3A = vector.extract_strided_slice %rsqrt3A {offsets = [0, 0], sizes = [1000, 1], strides = [1, 1]} : vector<1000x2xf32> to vector<1000x1xf32>
    %slice3A_25 = vector.extract_strided_slice %rsqrt3A {offsets = [0, 1], sizes = [1000, 1], strides = [1, 1]} : vector<1000x2xf32> to vector<1000x1xf32>
    %broadcast_in_dim3A = vector.shape_cast %lt3A_24 : vector<1x128xi1> to vector<1x128xi1>
    %broadcast_in_dim3A_26 = vector.broadcast %broadcast_in_dim3A : vector<1x128xi1> to vector<1000x128xi1>
    %broadcast_in_dim3A_27 = vector.shape_cast %slice3A : vector<1000x1xf32> to vector<1000x1xf32>
    %broadcast_in_dim3A_28 = vector.broadcast %broadcast_in_dim3A_27 : vector<1000x1xf32> to vector<1000x128xf32>
    %broadcast_in_dim3A_29 = vector.shape_cast %slice3A_25 : vector<1000x1xf32> to vector<1000x1xf32>
    %broadcast_in_dim3A_30 = vector.broadcast %broadcast_in_dim3A_29 : vector<1000x1xf32> to vector<1000x128xf32>
    %select_n3A = arith.select %broadcast_in_dim3A_26, %broadcast_in_dim3A_28, %broadcast_in_dim3A_30 : vector<1000x128xi1>, vector<1000x128xf32>
    %mul3A = arith.mulf %add3A_8, %select_n3A : vector<1000x128xf32>
    %get3A_31 = arith.constant 0 : index
    %get3A_32 = arith.constant 0 : index
    %get3A_33 = vector.load %arg5[%get3A_31, %get3A_32] : memref<1x128xf32, #tpu.memory_space<vmem>>, vector<1x128xf32>
    %add3A_34 = vector.broadcast %get3A_33 : vector<1x128xf32> to vector<1000x128xf32>
    %add3A_35 = arith.addf %mul3A, %add3A_34 : vector<1000x128xf32>
    %gt3A = arith.constant 0.000000e+00 : f32
    %gt3A_36 = vector.broadcast %gt3A : f32 to vector<1000x128xf32>
    %gt3A_37 = arith.cmpf ogt, %add3A_35, %gt3A_36 : vector<1000x128xf32>
    %mul3A_38 = arith.constant 0.00999999977 : f32
    %mul3A_39 = vector.broadcast %mul3A_38 : f32 to vector<1000x128xf32>
    %mul3A_40 = arith.mulf %mul3A_39, %add3A_35 : vector<1000x128xf32>
    %select_n3A_41 = arith.select %gt3A_37, %add3A_35, %mul3A_40 : vector<1000x128xi1>, vector<1000x128xf32>
    %swap3A = arith.constant 0 : index
    %swap3A_42 = arith.constant 0 : index
    %swap3A_43 = vector.load %arg6[%swap3A, %swap3A_42] : memref<1000x128xf32, #tpu.memory_space<vmem>>, vector<1000x128xf32>
    tpu.vector_store %arg6[%swap3A, %swap3A_42], %select_n3A_41 {strides = array<i32>} : memref<1000x128xf32, #tpu.memory_space<vmem>>, vector<1000x128xf32>,
    %reduce_sum3A = arith.constant dense<0.000000e+00> : vector<128xf32>
    %reduce_sum3A_44 = vector.multi_reduction <add>, %select_n3A_41, %reduce_sum3A [0] : vector<1000x128xf32> to vector<128xf32>
    %broadcast_in_dim3A_45 = vector.shape_cast %reduce_sum3A_44 : vector<128xf32> to vector<1x128xf32>
    %mul3A_46 = arith.mulf %select_n3A_41, %select_n3A_41 : vector<1000x128xf32>
    %reduce_sum3A_47 = arith.constant dense<0.000000e+00> : vector<128xf32>
    %reduce_sum3A_48 = vector.multi_reduction <add>, %mul3A_46, %reduce_sum3A_47 [0] : vector<1000x128xf32> to vector<128xf32>
    %broadcast_in_dim3A_49 = vector.shape_cast %reduce_sum3A_48 : vector<128xf32> to vector<1x128xf32>
    %broadcast_in_dim3A_50 = arith.constant 0.000000e+00 : f32
    %broadcast_in_dim3A_51 = vector.broadcast %broadcast_in_dim3A_50 : f32 to vector<6x128xf32>
    %concatenate3A = tpu.concatenate %broadcast_in_dim3A_45, %broadcast_in_dim3A_49, %broadcast_in_dim3A_51 in 0 : vector<1x128xf32>, vector<1x128xf32>, vector<6x128xf32> -> vector<8x128xf32>
    %eq3A = arith.constant 0 : i32
    %eq3A_52 = arith.cmpi eq, %arg0, %eq3A : i32
    %convert_element_type3A = arith.extui %eq3A_52 : i1 to i32
    %cond3A = arith.constant 0 : i32
    %cond3A_53 = arith.cmpi ne, %convert_element_type3A, %cond3A : i32
    scf.if %cond3A_53 {
      %swap3A_58 = arith.constant 0 : index
      %swap3A_59 = arith.constant 0 : index
      %swap3A_60 = vector.load %arg7[%swap3A_58, %swap3A_59] : memref<8x128xf32, #tpu.memory_space<vmem>>, vector<8x128xf32>
      tpu.vector_store %arg7[%swap3A_58, %swap3A_59], %concatenate3A {strides = array<i32>} : memref<8x128xf32, #tpu.memory_space<vmem>>, vector<8x128xf32>,
    } else {
    }
    %ne3A = arith.constant 0 : i32
    %ne3A_54 = arith.cmpi ne, %arg0, %ne3A : i32
    %convert_element_type3A_55 = arith.extui %ne3A_54 : i1 to i32
    %cond3A_56 = arith.constant 0 : i32
    %cond3A_57 = arith.cmpi ne, %convert_element_type3A_55, %cond3A_56 : i32
    scf.if %cond3A_57 {
      %get3A_58 = arith.constant 0 : index
      %get3A_59 = arith.constant 0 : index
      %get3A_60 = vector.load %arg7[%get3A_58, %get3A_59] : memref<8x128xf32, #tpu.memory_space<vmem>>, vector<8x128xf32>
      %add3A_61 = arith.addf %get3A_60, %concatenate3A : vector<8x128xf32>
      %swap3A_62 = arith.constant 0 : index
      %swap3A_63 = arith.constant 0 : index
      %swap3A_64 = vector.load %arg7[%swap3A_62, %swap3A_63] : memref<8x128xf32, #tpu.memory_space<vmem>>, vector<8x128xf32>
      tpu.vector_store %arg7[%swap3A_62, %swap3A_63], %add3A_61 {strides = array<i32>} : memref<8x128xf32, #tpu.memory_space<vmem>>, vector<8x128xf32>,
    } else {
    }
    return
  }
  func.func @transform_0(%arg0: i32) -> (i32, i32) {
    %c0_i32 = arith.constant 0 : i32
    %c0_i32_0 = arith.constant 0 : i32
    return %arg0, %c0_i32 : i32, i32
  }
  func.func @transform_1(%arg0: i32) -> (i32, i32) {
    %c0_i32 = arith.constant 0 : i32
    %c0_i32_0 = arith.constant 0 : i32
    return %arg0, %c0_i32 : i32, i32
  }
  func.func @transform_2(%arg0: i32) -> (i32, i32) {
    %c0_i32 = arith.constant 0 : i32
    %c0_i32_0 = arith.constant 0 : i32
    return %arg0, %c0_i32 : i32, i32
  }
  func.func @transform_3(%arg0: i32) -> (i32, i32, i32) {
    %c0_i32 = arith.constant 0 : i32
    %c0_i32_0 = arith.constant 0 : i32
    %c0_i32_1 = arith.constant 0 : i32
    return %c0_i32, %arg0, %c0_i32_0 : i32, i32, i32
  }
  func.func @transform_4(%arg0: i32) -> (i32, i32) {
    %c0_i32 = arith.constant 0 : i32
    %c0_i32_0 = arith.constant 0 : i32
    %c0_i32_1 = arith.constant 0 : i32
    return %c0_i32, %c0_i32_0 : i32, i32
  }
  func.func @transform_5(%arg0: i32) -> (i32, i32) {
    %c0_i32 = arith.constant 0 : i32
    %c0_i32_0 = arith.constant 0 : i32
    return %arg0, %c0_i32 : i32, i32
  }
  func.func @transform_6(%arg0: i32) -> (i32, i32) {
    %c0_i32 = arith.constant 0 : i32
    %c0_i32_0 = arith.constant 0 : i32
    %c0_i32_1 = arith.constant 0 : i32
    return %c0_i32, %c0_i32_0 : i32, i32
  }
}

module attributes {stable_mosaic.version = 14 : i64} {
  func.func @gcn_bn_mm(%arg0: i32, %arg1: memref<1000x128xf32, #tpu.memory_space<vmem>>, %arg2: memref<8x128xf32, #tpu.memory_space<vmem>>, %arg3: memref<1x128xf32, #tpu.memory_space<vmem>>, %arg4: memref<1x128xf32, #tpu.memory_space<vmem>>, %arg5: memref<128x128xf32, #tpu.memory_space<vmem>>, %arg6: memref<2x1000x2xf32, #tpu.memory_space<vmem>>, %arg7: memref<1000x128xf32, #tpu.memory_space<vmem>>) attributes {dimension_semantics = [#tpu.dimension_semantics<arbitrary>], iteration_bounds = array<i64: 5>, scalar_prefetch = 0 : i64, scratch_operands = 0 : i64, tpu.core_type = #tpu.core_type<tc>, window_params = [{transform_indices = @transform_0, window_bounds = array<i64: 1000, 128>}, {pipeline_mode = #tpu.pipeline_mode<synchronous>, transform_indices = @transform_1, window_bounds = array<i64: 8, 128>}, {pipeline_mode = #tpu.pipeline_mode<synchronous>, transform_indices = @transform_2, window_bounds = array<i64: 1, 128>}, {pipeline_mode = #tpu.pipeline_mode<synchronous>, transform_indices = @transform_3, window_bounds = array<i64: 1, 128>}, {pipeline_mode = #tpu.pipeline_mode<synchronous>, transform_indices = @transform_4, window_bounds = array<i64: 128, 128>}, {transform_indices = @transform_5, window_bounds = array<i64: 2, 1000, 2>}, {transform_indices = @transform_6, window_bounds = array<i64: 1000, 128>}]} {
    %get3A = arith.constant 0 : index
    %get3A_0 = arith.constant 0 : index
    %get3A_1 = vector.load %arg2[%get3A, %get3A_0] : memref<8x128xf32, #tpu.memory_space<vmem>>, vector<1x128xf32>
    %get3A_2 = arith.constant 1 : index
    %get3A_3 = arith.constant 0 : index
    %get3A_4 = vector.load %arg2[%get3A_2, %get3A_3] : memref<8x128xf32, #tpu.memory_space<vmem>>, vector<1x128xf32>
    %slice3A = vector.extract_strided_slice %get3A_1 {offsets = [0, 0], sizes = [1, 64], strides = [1, 1]} : vector<1x128xf32> to vector<1x64xf32>
    %slice3A_5 = vector.extract_strided_slice %get3A_1 {offsets = [0, 64], sizes = [1, 64], strides = [1, 1]} : vector<1x128xf32> to vector<1x64xf32>
    %add3A = arith.addf %slice3A, %slice3A_5 : vector<1x64xf32>
    %div3A = arith.constant 1.000000e+04 : f32
    %div3A_6 = vector.broadcast %div3A : f32 to vector<1x64xf32>
    %div3A_7 = arith.divf %add3A, %div3A_6 : vector<1x64xf32>
    %slice3A_8 = vector.extract_strided_slice %get3A_4 {offsets = [0, 0], sizes = [1, 64], strides = [1, 1]} : vector<1x128xf32> to vector<1x64xf32>
    %slice3A_9 = vector.extract_strided_slice %get3A_4 {offsets = [0, 64], sizes = [1, 64], strides = [1, 1]} : vector<1x128xf32> to vector<1x64xf32>
    %add3A_10 = arith.addf %slice3A_8, %slice3A_9 : vector<1x64xf32>
    %div3A_11 = arith.constant 1.000000e+04 : f32
    %div3A_12 = vector.broadcast %div3A_11 : f32 to vector<1x64xf32>
    %div3A_13 = arith.divf %add3A_10, %div3A_12 : vector<1x64xf32>
    %mul3A = arith.mulf %div3A_7, %div3A_7 : vector<1x64xf32>
    %sub3A = arith.subf %div3A_13, %mul3A : vector<1x64xf32>
    %concatenate3A = tpu.concatenate %div3A_7, %div3A_7 in 1 : vector<1x64xf32>, vector<1x64xf32> -> vector<1x128xf32>
    %concatenate3A_14 = tpu.concatenate %sub3A, %sub3A in 1 : vector<1x64xf32>, vector<1x64xf32> -> vector<1x128xf32>
    %get3A_15 = arith.constant 0 : index
    %get3A_16 = arith.constant 0 : index
    %get3A_17 = vector.load %arg3[%get3A_15, %get3A_16] : memref<1x128xf32, #tpu.memory_space<vmem>>, vector<1x128xf32>
    %add3A_18 = arith.constant 9.99999974E-6 : f32
    %add3A_19 = vector.broadcast %add3A_18 : f32 to vector<1x128xf32>
    %add3A_20 = arith.addf %concatenate3A_14, %add3A_19 : vector<1x128xf32>
    %rsqrt3A = math.rsqrt %add3A_20 : vector<1x128xf32>
    %mul3A_21 = arith.mulf %get3A_17, %rsqrt3A : vector<1x128xf32>
    %get3A_22 = arith.constant 0 : index
    %get3A_23 = arith.constant 0 : index
    %get3A_24 = vector.load %arg4[%get3A_22, %get3A_23] : memref<1x128xf32, #tpu.memory_space<vmem>>, vector<1x128xf32>
    %get3A_25 = arith.constant 0 : index
    %get3A_26 = arith.constant 0 : index
    %get3A_27 = vector.load %arg1[%get3A_25, %get3A_26] : memref<1000x128xf32, #tpu.memory_space<vmem>>, vector<1000x128xf32>
    %sub3A_28 = vector.broadcast %concatenate3A : vector<1x128xf32> to vector<1000x128xf32>
    %sub3A_29 = arith.subf %get3A_27, %sub3A_28 : vector<1000x128xf32>
    %mul3A_30 = vector.broadcast %mul3A_21 : vector<1x128xf32> to vector<1000x128xf32>
    %mul3A_31 = arith.mulf %sub3A_29, %mul3A_30 : vector<1000x128xf32>
    %add3A_32 = vector.broadcast %get3A_24 : vector<1x128xf32> to vector<1000x128xf32>
    %add3A_33 = arith.addf %mul3A_31, %add3A_32 : vector<1000x128xf32>
    %get3A_34 = arith.constant 0 : index
    %get3A_35 = arith.constant 0 : index
    %get3A_36 = vector.load %arg5[%get3A_34, %get3A_35] : memref<128x128xf32, #tpu.memory_space<vmem>>, vector<128x128xf32>
    %dot_general3A = arith.constant dense<0.000000e+00> : vector<1000x128xf32>
    %dot_general3A_37 = tpu.matmul %add3A_33, %get3A_36, %dot_general3A {dimension_numbers = #tpu.dot_dimension_numbers<[1], [0], [0], [1], [0, 0, 1, 1], [], []>, transpose_lhs_hint = false} : vector<1000x128xf32>, vector<128x128xf32>, vector<1000x128xf32> -> vector<1000x128xf32>
    %get3A_38 = arith.constant 0 : index
    %get3A_39 = arith.constant 0 : index
    %get3A_40 = arith.constant 0 : index
    %get3A_41 = vector.load %arg6[%get3A_38, %get3A_39, %get3A_40] : memref<2x1000x2xf32, #tpu.memory_space<vmem>>, vector<1x1000x2xf32>
    %get3A_42 = vector.shape_cast %get3A_41 : vector<1x1000x2xf32> to vector<1000x2xf32>
    %get3A_43 = arith.constant 1 : index
    %get3A_44 = arith.constant 0 : index
    %get3A_45 = arith.constant 0 : index
    %get3A_46 = vector.load %arg6[%get3A_43, %get3A_44, %get3A_45] : memref<2x1000x2xf32, #tpu.memory_space<vmem>>, vector<1x1000x2xf32>
    %get3A_47 = vector.shape_cast %get3A_46 : vector<1x1000x2xf32> to vector<1000x2xf32>
    %add3A_48 = arith.addf %get3A_42, %get3A_47 : vector<1000x2xf32>
    %add3A_49 = arith.constant 1.000000e+00 : f32
    %add3A_50 = vector.broadcast %add3A_49 : f32 to vector<1000x2xf32>
    %add3A_51 = arith.addf %add3A_48, %add3A_50 : vector<1000x2xf32>
    %rsqrt3A_52 = math.rsqrt %add3A_51 : vector<1000x2xf32>
    %iota3A = tpu.iota {dimensions = array<i32: 1>} : vector<1x128xi32>
    %lt3A = arith.constant 64 : i32
    %lt3A_53 = vector.broadcast %lt3A : i32 to vector<1x128xi32>
    %lt3A_54 = arith.cmpi slt, %iota3A, %lt3A_53 : vector<1x128xi32>
    %slice3A_55 = vector.extract_strided_slice %rsqrt3A_52 {offsets = [0, 0], sizes = [1000, 1], strides = [1, 1]} : vector<1000x2xf32> to vector<1000x1xf32>
    %slice3A_56 = vector.extract_strided_slice %rsqrt3A_52 {offsets = [0, 1], sizes = [1000, 1], strides = [1, 1]} : vector<1000x2xf32> to vector<1000x1xf32>
    %broadcast_in_dim3A = vector.shape_cast %lt3A_54 : vector<1x128xi1> to vector<1x128xi1>
    %broadcast_in_dim3A_57 = vector.broadcast %broadcast_in_dim3A : vector<1x128xi1> to vector<1000x128xi1>
    %broadcast_in_dim3A_58 = vector.shape_cast %slice3A_55 : vector<1000x1xf32> to vector<1000x1xf32>
    %broadcast_in_dim3A_59 = vector.broadcast %broadcast_in_dim3A_58 : vector<1000x1xf32> to vector<1000x128xf32>
    %broadcast_in_dim3A_60 = vector.shape_cast %slice3A_56 : vector<1000x1xf32> to vector<1000x1xf32>
    %broadcast_in_dim3A_61 = vector.broadcast %broadcast_in_dim3A_60 : vector<1000x1xf32> to vector<1000x128xf32>
    %select_n3A = arith.select %broadcast_in_dim3A_57, %broadcast_in_dim3A_59, %broadcast_in_dim3A_61 : vector<1000x128xi1>, vector<1000x128xf32>
    %mul3A_62 = arith.mulf %dot_general3A_37, %select_n3A : vector<1000x128xf32>
    %swap3A = arith.constant 0 : index
    %swap3A_63 = arith.constant 0 : index
    %swap3A_64 = vector.load %arg7[%swap3A, %swap3A_63] : memref<1000x128xf32, #tpu.memory_space<vmem>>, vector<1000x128xf32>
    tpu.vector_store %arg7[%swap3A, %swap3A_63], %mul3A_62 {strides = array<i32>} : memref<1000x128xf32, #tpu.memory_space<vmem>>, vector<1000x128xf32>,
    return
  }
  func.func @transform_0(%arg0: i32) -> (i32, i32) {
    %c0_i32 = arith.constant 0 : i32
    %c0_i32_0 = arith.constant 0 : i32
    return %arg0, %c0_i32 : i32, i32
  }
  func.func @transform_1(%arg0: i32) -> (i32, i32) {
    %c0_i32 = arith.constant 0 : i32
    %c0_i32_0 = arith.constant 0 : i32
    %c0_i32_1 = arith.constant 0 : i32
    return %c0_i32, %c0_i32_0 : i32, i32
  }
  func.func @transform_2(%arg0: i32) -> (i32, i32) {
    %c0_i32 = arith.constant 0 : i32
    %c0_i32_0 = arith.constant 0 : i32
    %c0_i32_1 = arith.constant 0 : i32
    return %c0_i32, %c0_i32_0 : i32, i32
  }
  func.func @transform_3(%arg0: i32) -> (i32, i32) {
    %c0_i32 = arith.constant 0 : i32
    %c0_i32_0 = arith.constant 0 : i32
    %c0_i32_1 = arith.constant 0 : i32
    return %c0_i32, %c0_i32_0 : i32, i32
  }
  func.func @transform_4(%arg0: i32) -> (i32, i32) {
    %c0_i32 = arith.constant 0 : i32
    %c0_i32_0 = arith.constant 0 : i32
    %c0_i32_1 = arith.constant 0 : i32
    return %c0_i32, %c0_i32_0 : i32, i32
  }
  func.func @transform_5(%arg0: i32) -> (i32, i32, i32) {
    %c0_i32 = arith.constant 0 : i32
    %c0_i32_0 = arith.constant 0 : i32
    %c0_i32_1 = arith.constant 0 : i32
    return %c0_i32, %arg0, %c0_i32_0 : i32, i32, i32
  }
  func.func @transform_6(%arg0: i32) -> (i32, i32) {
    %c0_i32 = arith.constant 0 : i32
    %c0_i32_0 = arith.constant 0 : i32
    return %arg0, %c0_i32 : i32, i32
  }
}

module attributes {stable_mosaic.version = 14 : i64} {
  func.func @gcn_head(%arg0: i32, %arg1: memref<512x128xf32, #tpu.memory_space<vmem>>, %arg2: memref<8x128xf32, #tpu.memory_space<vmem>>, %arg3: memref<1x128xf32, #tpu.memory_space<vmem>>, %arg4: memref<1x128xf32, #tpu.memory_space<vmem>>, %arg5: memref<128x128xf32, #tpu.memory_space<vmem>>, %arg6: memref<1x128xf32, #tpu.memory_space<vmem>>, %arg7: memref<512x128xf32, #tpu.memory_space<vmem>>, %arg8: memref<512x128xf32, #tpu.memory_space<vmem>>) attributes {dimension_semantics = [#tpu.dimension_semantics<arbitrary>], iteration_bounds = array<i64: 1>, scalar_prefetch = 0 : i64, scratch_operands = 0 : i64, tpu.core_type = #tpu.core_type<tc>, window_params = [{pipeline_mode = #tpu.pipeline_mode<synchronous>, transform_indices = @transform_0, window_bounds = array<i64: 512, 128>}, {pipeline_mode = #tpu.pipeline_mode<synchronous>, transform_indices = @transform_1, window_bounds = array<i64: 8, 128>}, {pipeline_mode = #tpu.pipeline_mode<synchronous>, transform_indices = @transform_2, window_bounds = array<i64: 1, 128>}, {pipeline_mode = #tpu.pipeline_mode<synchronous>, transform_indices = @transform_3, window_bounds = array<i64: 1, 128>}, {pipeline_mode = #tpu.pipeline_mode<synchronous>, transform_indices = @transform_4, window_bounds = array<i64: 128, 128>}, {pipeline_mode = #tpu.pipeline_mode<synchronous>, transform_indices = @transform_5, window_bounds = array<i64: 1, 128>}, {pipeline_mode = #tpu.pipeline_mode<synchronous>, transform_indices = @transform_6, window_bounds = array<i64: 512, 128>}, {pipeline_mode = #tpu.pipeline_mode<synchronous>, transform_indices = @transform_7, window_bounds = array<i64: 512, 128>}]} {
    %get3A = arith.constant 0 : index
    %get3A_0 = arith.constant 0 : index
    %get3A_1 = vector.load %arg2[%get3A, %get3A_0] : memref<8x128xf32, #tpu.memory_space<vmem>>, vector<1x128xf32>
    %get3A_2 = arith.constant 1 : index
    %get3A_3 = arith.constant 0 : index
    %get3A_4 = vector.load %arg2[%get3A_2, %get3A_3] : memref<8x128xf32, #tpu.memory_space<vmem>>, vector<1x128xf32>
    %slice3A = vector.extract_strided_slice %get3A_1 {offsets = [0, 0], sizes = [1, 64], strides = [1, 1]} : vector<1x128xf32> to vector<1x64xf32>
    %slice3A_5 = vector.extract_strided_slice %get3A_1 {offsets = [0, 64], sizes = [1, 64], strides = [1, 1]} : vector<1x128xf32> to vector<1x64xf32>
    %add3A = arith.addf %slice3A, %slice3A_5 : vector<1x64xf32>
    %div3A = arith.constant 1.000000e+04 : f32
    %div3A_6 = vector.broadcast %div3A : f32 to vector<1x64xf32>
    %div3A_7 = arith.divf %add3A, %div3A_6 : vector<1x64xf32>
    %slice3A_8 = vector.extract_strided_slice %get3A_4 {offsets = [0, 0], sizes = [1, 64], strides = [1, 1]} : vector<1x128xf32> to vector<1x64xf32>
    %slice3A_9 = vector.extract_strided_slice %get3A_4 {offsets = [0, 64], sizes = [1, 64], strides = [1, 1]} : vector<1x128xf32> to vector<1x64xf32>
    %add3A_10 = arith.addf %slice3A_8, %slice3A_9 : vector<1x64xf32>
    %div3A_11 = arith.constant 1.000000e+04 : f32
    %div3A_12 = vector.broadcast %div3A_11 : f32 to vector<1x64xf32>
    %div3A_13 = arith.divf %add3A_10, %div3A_12 : vector<1x64xf32>
    %mul3A = arith.mulf %div3A_7, %div3A_7 : vector<1x64xf32>
    %sub3A = arith.subf %div3A_13, %mul3A : vector<1x64xf32>
    %concatenate3A = tpu.concatenate %div3A_7, %div3A_7 in 1 : vector<1x64xf32>, vector<1x64xf32> -> vector<1x128xf32>
    %concatenate3A_14 = tpu.concatenate %sub3A, %sub3A in 1 : vector<1x64xf32>, vector<1x64xf32> -> vector<1x128xf32>
    %get3A_15 = arith.constant 0 : index
    %get3A_16 = arith.constant 0 : index
    %get3A_17 = vector.load %arg3[%get3A_15, %get3A_16] : memref<1x128xf32, #tpu.memory_space<vmem>>, vector<1x128xf32>
    %add3A_18 = arith.constant 9.99999974E-6 : f32
    %add3A_19 = vector.broadcast %add3A_18 : f32 to vector<1x128xf32>
    %add3A_20 = arith.addf %concatenate3A_14, %add3A_19 : vector<1x128xf32>
    %rsqrt3A = math.rsqrt %add3A_20 : vector<1x128xf32>
    %mul3A_21 = arith.mulf %get3A_17, %rsqrt3A : vector<1x128xf32>
    %get3A_22 = arith.constant 0 : index
    %get3A_23 = arith.constant 0 : index
    %get3A_24 = vector.load %arg4[%get3A_22, %get3A_23] : memref<1x128xf32, #tpu.memory_space<vmem>>, vector<1x128xf32>
    %get3A_25 = arith.constant 0 : index
    %get3A_26 = arith.constant 0 : index
    %get3A_27 = vector.load %arg1[%get3A_25, %get3A_26] : memref<512x128xf32, #tpu.memory_space<vmem>>, vector<512x128xf32>
    %sub3A_28 = vector.broadcast %concatenate3A : vector<1x128xf32> to vector<512x128xf32>
    %sub3A_29 = arith.subf %get3A_27, %sub3A_28 : vector<512x128xf32>
    %mul3A_30 = vector.broadcast %mul3A_21 : vector<1x128xf32> to vector<512x128xf32>
    %mul3A_31 = arith.mulf %sub3A_29, %mul3A_30 : vector<512x128xf32>
    %add3A_32 = vector.broadcast %get3A_24 : vector<1x128xf32> to vector<512x128xf32>
    %add3A_33 = arith.addf %mul3A_31, %add3A_32 : vector<512x128xf32>
    %swap3A = arith.constant 0 : index
    %swap3A_34 = arith.constant 0 : index
    %swap3A_35 = vector.load %arg7[%swap3A, %swap3A_34] : memref<512x128xf32, #tpu.memory_space<vmem>>, vector<512x128xf32>
    tpu.vector_store %arg7[%swap3A, %swap3A_34], %add3A_33 {strides = array<i32>} : memref<512x128xf32, #tpu.memory_space<vmem>>, vector<512x128xf32>,
    %get3A_36 = arith.constant 0 : index
    %get3A_37 = arith.constant 0 : index
    %get3A_38 = vector.load %arg5[%get3A_36, %get3A_37] : memref<128x128xf32, #tpu.memory_space<vmem>>, vector<128x128xf32>
    %dot_general3A = arith.constant dense<0.000000e+00> : vector<512x128xf32>
    %dot_general3A_39 = tpu.matmul %add3A_33, %get3A_38, %dot_general3A {dimension_numbers = #tpu.dot_dimension_numbers<[1], [0], [0], [1], [0, 0, 1, 1], [], []>, transpose_lhs_hint = false} : vector<512x128xf32>, vector<128x128xf32>, vector<512x128xf32> -> vector<512x128xf32>
    %get3A_40 = arith.constant 0 : index
    %get3A_41 = arith.constant 0 : index
    %get3A_42 = vector.load %arg6[%get3A_40, %get3A_41] : memref<1x128xf32, #tpu.memory_space<vmem>>, vector<1x128xf32>
    %add3A_43 = vector.broadcast %get3A_42 : vector<1x128xf32> to vector<512x128xf32>
    %add3A_44 = arith.addf %dot_general3A_39, %add3A_43 : vector<512x128xf32>
    %logistic3A = arith.negf %add3A_44 : vector<512x128xf32>
    %logistic3A_45 = math.exp %logistic3A : vector<512x128xf32>
    %logistic3A_46 = arith.constant 1.000000e+00 : f32
    %logistic3A_47 = vector.broadcast %logistic3A_46 : f32 to vector<512x128xf32>
    %logistic3A_48 = arith.addf %logistic3A_47, %logistic3A_45 : vector<512x128xf32>
    %logistic3A_49 = arith.divf %logistic3A_47, %logistic3A_48 : vector<512x128xf32>
    %swap3A_50 = arith.constant 0 : index
    %swap3A_51 = arith.constant 0 : index
    %swap3A_52 = vector.load %arg8[%swap3A_50, %swap3A_51] : memref<512x128xf32, #tpu.memory_space<vmem>>, vector<512x128xf32>
    tpu.vector_store %arg8[%swap3A_50, %swap3A_51], %logistic3A_49 {strides = array<i32>} : memref<512x128xf32, #tpu.memory_space<vmem>>, vector<512x128xf32>,
    return
  }
  func.func @transform_0(%arg0: i32) -> (i32, i32) {
    %c0_i32 = arith.constant 0 : i32
    %c0_i32_0 = arith.constant 0 : i32
    %c0_i32_1 = arith.constant 0 : i32
    return %c0_i32, %c0_i32_0 : i32, i32
  }
  func.func @transform_1(%arg0: i32) -> (i32, i32) {
    %c0_i32 = arith.constant 0 : i32
    %c0_i32_0 = arith.constant 0 : i32
    %c0_i32_1 = arith.constant 0 : i32
    return %c0_i32, %c0_i32_0 : i32, i32
  }
  func.func @transform_2(%arg0: i32) -> (i32, i32) {
    %c0_i32 = arith.constant 0 : i32
    %c0_i32_0 = arith.constant 0 : i32
    %c0_i32_1 = arith.constant 0 : i32
    return %c0_i32, %c0_i32_0 : i32, i32
  }
  func.func @transform_3(%arg0: i32) -> (i32, i32) {
    %c0_i32 = arith.constant 0 : i32
    %c0_i32_0 = arith.constant 0 : i32
    %c0_i32_1 = arith.constant 0 : i32
    return %c0_i32, %c0_i32_0 : i32, i32
  }
  func.func @transform_4(%arg0: i32) -> (i32, i32) {
    %c0_i32 = arith.constant 0 : i32
    %c0_i32_0 = arith.constant 0 : i32
    %c0_i32_1 = arith.constant 0 : i32
    return %c0_i32, %c0_i32_0 : i32, i32
  }
  func.func @transform_5(%arg0: i32) -> (i32, i32) {
    %c0_i32 = arith.constant 0 : i32
    %c0_i32_0 = arith.constant 0 : i32
    %c0_i32_1 = arith.constant 0 : i32
    return %c0_i32, %c0_i32_0 : i32, i32
  }
  func.func @transform_6(%arg0: i32) -> (i32, i32) {
    %c0_i32 = arith.constant 0 : i32
    %c0_i32_0 = arith.constant 0 : i32
    %c0_i32_1 = arith.constant 0 : i32
    return %c0_i32, %c0_i32_0 : i32, i32
  }
  func.func @transform_7(%arg0: i32) -> (i32, i32) {
    %c0_i32 = arith.constant 0 : i32
    %c0_i32_0 = arith.constant 0 : i32
    %c0_i32_1 = arith.constant 0 : i32
    return %c0_i32, %c0_i32_0 : i32, i32
  }
}

</mosaic_0001>

<sc_bundles>
// kernel: gcn_deg.3.cloned.1.call-start
scs
__scs_entry_jumppad:
0x0: {  	(pc) =	sbr.rel $0x88, $3  }
0x1: {  	(tag) =	ssettag $0x0;
	lr =	simm.s32 $0x1  }
0x2: {  	[smem:$0x3F94] =	sst lr;
	_ =	strace $0xD0000000  }
0x3: {  	_ = 	snop  }
0x4: {  	_ = 	snop  }
0x5: {  	_ = 	snop  }
0x6: {  	_ = 	snop  }
0x7: {  	_ = 	snop  }
__scs_overlays_trampoline_lowered:
0x8: {  	[smem:$0x3FA3] =	sst s0  }
0x9: {  	[smem:$0x3FA4] =	sst s1  }
0xa: {  	[smem:$0x3FA5] =	sst s2  }
0xb: {  	[smem:$0x3FA6] =	sst s3  }
0xc: {  	[smem:$0x3FA7] =	sst s4  }
0xd: {  	[smem:$0x3FA8] =	sst s5  }
0xe: {  	[smem:$0x3FA9] =	sst s6  }
0xf: {  	[smem:$0x3FAA] =	sst s7  }
0x10: {  	[smem:$0x3FAB] =	sst s8  }
0x11: {  	[smem:$0x3FAC] =	sst s9;
	s0 =	simm.s32 @!p0 $0x0  }
0x12: {  	s1 =	sld [smem:$0x3F92];
	s0 =	simm.s32 @p0 $0x1  }
0x13: {  	[smem:$0x3FAD] =	sst s0;
	s0 =	simm.s32 @!p1 $0x0  }
0x14: {  	s2 =	sld [smem:$0x3F91];
	s0 =	simm.s32 @p1 $0x1  }
0x15: {  	[smem:$0x3FAE] =	sst s0;
	s0 =	simm.s32 @!p2 $0x0  }
0x16: {  	s3 =	sld [smem:$0x3FDB];
	s0 =	simm.s32 @p2 $0x1  }
0x17: {  	s4 =	simm.s32 $0x1BF5;
	[smem:$0x3FB0] =	sst s0  }
0x18: {  	s0 =	sld [smem:$0x3F93];
	_ =	swait.ge [sflag:s4], $0x0  }
0x19: {  	s7 =	sld [smem:$0x3F94]  }
0x1a: {  	s8 =	sadd.s32 $0xFFFFE003, lr  }
0x1b: {  	s9 =	sadd.s32 $0xFFFFFEF7, lr;
	s5 =	simm.s32 $0xFFFFFFFF;
	p2 =	slt.u32 s8, $0xFFFFF086  }
0x1c: {  	p1 =	slt.u32 s9, $0xF7A;
	s5 =	simm.s32 @!p2 $0x0  }
0x1d: {  	s5 =	simm.s32 @p1 $0x1;
	p0 =	seq.s32 s7, s2  }
0x1e: {  	s7 =	smul.u32 @!p0 $0xF7A, s2;
	p2 =	seq.s32 @!p0 s5, $0x0  }
0x1f: {  	s9 =	smul.u32 $0xF7A, s1;
	s8 =	simm.s32 @!p0 $0x1BF5;
	p2 =	por !p2, p0  }
0x20: {  	[sflag:s8] =	ssyncset.s32 @!p0 $0xFFFFF086;
	s6 =	sadd.s32 @!p0 s3, s7;
	s7 =	simm.s32 @!p0 $0x108  }
0x21: {  	s3 =	sadd.s32 s3, s9;
	s6 =	sadd.s32 @!p0 $0x88, s6;
	s7 =	simm.s32 @p2 $0x1082  }
0x22: {  	[simem:s7], [sflag:s8] =	dma.local @!p0 [hbm:s6], $0xF7A  }
0x23: {  	s9 =	sor.u32 $0xD0000000, s2;
	s6 =	simm.s32 $0x108;
	_ =	swait.ge @!p0 [sflag:s8], $0x0  }
0x24: {  	s3 =	sadd.s32 $0x88, s3;
	s6 =	simm.s32 @!p1 $0x1082;
	[sflag:s4] =	ssyncset.s32 $0xFFFFF086  }
0x25: {  	[simem:s6], [sflag:s4] =	dma.local [hbm:s3], $0xF7A  }
0x26: {  	[smem:$0x3F94] =	sst s1;
	(tag) =	ssettag s2;
	_ =	strace s9  }
0x27: {  	s1 =	sld [smem:$0x3FA4]  }
0x28: {  	s2 =	sld [smem:$0x3FA5]  }
0x29: {  	s4 =	sld [smem:$0x3FA7]  }
0x2a: {  	p0 =	seq.s32 s5, $0x0;
	s5 =	sld [smem:$0x3FA8]  }
0x2b: {  	s6 =	sld [smem:$0x3FA9]  }
0x2c: {  	s7 =	sld [smem:$0x3FAA]  }
0x2d: {  	s3 =	simm.s32 $0x108;
	s8 =	sld [smem:$0x3FAB]  }
0x2e: {  	s3 =	simm.s32 @!p0 $0x1082;
	s9 =	sld [smem:$0x3FAC]  }
0x2f: {  	lr =	sadd.s32 s0, s3;
	s0 =	sld [smem:$0x3FA3]  }
0x30: {  	s3 =	sld [smem:$0x3FA6]  }
0x31: {  	[smem:$0x3FAF] =	sst s10  }
0x32: {  	s10 =	sld [smem:$0x3FAD];
	_ =	sdelay $0x3  }
0x33: {  	p0 =	seq.s32 s10, $0x1;
	s10 =	sld [smem:$0x3FAF];
	_ =	sdelay $0x3  }
0x34: {  	[smem:$0x3FAF] =	sst s10  }
0x35: {  	s10 =	sld [smem:$0x3FAE];
	_ =	sdelay $0x3  }
0x36: {  	p1 =	seq.s32 s10, $0x1;
	s10 =	sld [smem:$0x3FAF];
	_ =	sdelay $0x3  }
0x37: {  	[smem:$0x3FAF] =	sst s10  }
0x38: {  	s10 =	sld [smem:$0x3FB0]  }
0x39: {  	_ = 	snop;
	(pc) =	sbr.ind lr, $3  }
0x3a: {  	_ = 	snop  }
0x3b: {  	_ = 	snop  }
0x3c: {  	p2 =	seq.s32 s10, $0x1;
	s10 =	sld [smem:$0x3FAF]  }
0x3d: {  	_ =	shalt  }
0x3e: {  	_ =	shalt  }
0x3f: {  	_ =	shalt  }
0x40: {  	_ =	shalt  }
0x41: {  	_ =	shalt  }
0x42: {  	_ =	shalt  }
0x43: {  	_ =	shalt  }
0x44: {  	_ =	shalt  }
0x45: {  	_ =	shalt  }
0x46: {  	_ =	shalt  }
0x47: {  	_ =	shalt  }
0x48: {  	_ =	shalt  }
0x49: {  	_ =	shalt  }
0x4a: {  	_ =	shalt  }
0x4b: {  	_ =	shalt  }
0x4c: {  	_ =	shalt  }
0x4d: {  	_ =	shalt  }
0x4e: {  	_ =	shalt  }
0x4f: {  	_ =	shalt  }
0x50: {  	_ =	shalt  }
0x51: {  	_ =	shalt  }
0x52: {  	_ =	shalt  }
0x53: {  	_ =	shalt  }
0x54: {  	_ =	shalt  }
0x55: {  	_ =	shalt  }
0x56: {  	_ =	shalt  }
0x57: {  	_ =	shalt  }
0x58: {  	_ =	shalt  }
0x59: {  	_ =	shalt  }
0x5a: {  	_ =	shalt  }
0x5b: {  	_ =	shalt  }
0x5c: {  	_ =	shalt  }
0x5d: {  	_ =	shalt  }
0x5e: {  	_ =	shalt  }
0x5f: {  	_ =	shalt  }
0x60: {  	_ =	shalt  }
0x61: {  	_ =	shalt  }
0x62: {  	_ =	shalt  }
0x63: {  	_ =	shalt  }
0x64: {  	_ =	shalt  }
0x65: {  	_ =	shalt  }
0x66: {  	_ =	shalt  }
0x67: {  	_ =	shalt  }
0x68: {  	_ =	shalt  }
0x69: {  	_ =	shalt  }
0x6a: {  	_ =	shalt  }
0x6b: {  	_ =	shalt  }
0x6c: {  	_ =	shalt  }
0x6d: {  	_ =	shalt  }
0x6e: {  	_ =	shalt  }
0x6f: {  	_ =	shalt  }
0x70: {  	_ =	shalt  }
0x71: {  	_ =	shalt  }
0x72: {  	_ =	shalt  }
0x73: {  	_ =	shalt  }
0x74: {  	_ =	shalt  }
0x75: {  	_ =	shalt  }
0x76: {  	_ =	shalt  }
0x77: {  	_ =	shalt  }
0x78: {  	_ =	shalt  }
0x79: {  	_ =	shalt  }
0x7a: {  	_ =	shalt  }
0x7b: {  	_ =	shalt  }
0x7c: {  	_ =	shalt  }
0x7d: {  	_ =	shalt  }
0x7e: {  	_ =	shalt  }
0x7f: {  	_ =	shalt  }
0x80: {  	_ =	shalt  }
0x81: {  	_ =	shalt  }
0x82: {  	_ =	shalt  }
0x83: {  	_ =	shalt  }
0x84: {  	_ =	shalt  }
0x85: {  	_ =	shalt  }
0x86: {  	_ =	shalt  }
0x87: {  	_ =	shalt  }
.Lfunc_end0:
.L_simem_size_0:
called_computation_lowered:
.L_overlay_start_0:
0x88: {  	s2 =	sld [smem:$0x3FD9]  }
0x89: {  	s3 =	sld [smem:$0x3FFE];
	_ =	sdelay $0x1  }
0x8a: {  	s1 =	srdreg.scid  }
0x8b: {  	s0 =	sand.u32 $0x1, s1  }
0x8c: {  	s14 =	sshll.u32 s0, $0xA;
	s2 =	sadd.s32 s3, s2  }
0x8d: {  	s2 =	sadd.s32 s2, s14  }
0x8e: {  	[smem:$0x3FBB] =	sst s2  }
0x8f: {  	_ = 	snop  }
0x90: {  	s2 =	sld [smem:$0x3FD0];
	_ =	sdelay $0x2  }
0x91: {  	s15 =	simm.s32 $0xA;
	s4 =	simm.s32 $0x10  }
0x92: {  	[smem:s4], [sflag:s15] =	dma.local [hbm:s2], $0x1  }
0x93: {  	_ =	swait.eq [sflag:s15], $0x1  }
0x94: {  	[sflag:s15] =	ssyncset.done $0x0  }
0x95: {  	[sflag:s15] =	ssyncadd.s32 $0xFFFFFFFF  }
0x96: {  	s16 =	sld [smem:$0x10];
	(tm) =	ssettm $0x1  }
0x97: {  	s17 =	sld [smem:$0x3FFB];
	_ =	sdelay $0x3  }
0x98: {  	_ =	strace s17  }
0x99: {  	s3 =	sld [smem:$0x3FFC];
	_ =	sdelay $0x3  }
0x9a: {  	_ =	strace s3  }
0x9b: {  	s3 =	sld [smem:$0x3FFD];
	_ =	sdelay $0x3  }
0x9c: {  	_ =	strace s3  }
0x9d: {  	_ =	strace $0x8FFFFFFF  }
0x9e: {  	s18 =	sld [smem:$0x3FDB];
	_ =	sdelay $0x1  }
0x9f: {  	s19 =	simm.s32 $_scs_section_size  }
0xa0: {  	s5 =	simm.s32 $_size__tile_overlayer_lowered;
	s6 =	simm.s32 $_tile_overlayer_lowered  }
0xa1: {  	s22 =	simm.s32 $0x1BFF;
	s21 =	sshll.u32 s6, $0x1;
	s3 =	sadd.s32 s19, s18  }
0xa2: {  	s7 =	simm.s32 $0x0;
	s20 =	sshll.u32 s5, $0x1;
	s5 =	sadd.s32 s21, s3  }
0xa3: {  	[timem:s7], [sflag:s22] =	dma.local [hbm:s5], s20  }
0xa4: {  	_ =	swait.ge [sflag:s22], s20  }
0xa5: {  	s4 =	ssub.s32 $0x0, s20;
	[sflag:s22] =	ssyncset.done $0x0  }
0xa6: {  	[sflag:s22] =	ssyncadd.s32 s4;
	_ =	sdelay $0x1  }
0xa7: {  	s23 =	simm.s32 $0x1B8B  }
0xa8: {  	_ =	swait.ge [sflag:s23], $0x1  }
0xa9: {  	[sflag:s23] =	ssyncset.done $0x0  }
0xaa: {  	s25 =	simm.s32 $0x1B8E;
	s24 =	sld [smem:$0x3FFE];
	[sflag:s23] =	ssyncadd.s32 $0xFFFFFFFF  }
0xab: {  	s26 =	simm.s32 $execute0_lowered;
	[smem:$0x3FD2] =	sst s25  }
0xac: {  	s5 =	sshll.u32 s26, $0x1;
	_ =	strace $0x80000046;
	[dreg:$0x1] =	wrdreg $0xFFFFFFFF  }
0xad: {  	s28 =	simm.s32 $_size_execute0_lowered;
	s3 =	sadd.s32 s3, s5;
	[dreg:$0x0] =	wrdreg $0x0  }
0xae: {  	s5 =	sshll.u32 s28, $0x1;
	[dreg:$0x2] =	wrdreg s3  }
0xaf: {  	[dreg:$0x3] =	wrdreg s5  }
0xb0: {  	[dreg:$0x4] =	wrdreg $0xC0  }
0xb1: {  	_ =	task [dreg:s7], $0x5FFFF  }
0xb2: {  	[dreg:$0x1] =	wrdreg $0xFFFFFFFF  }
0xb3: {  	[dreg:$0x0] =	wrdreg $0x60  }
0xb4: {  	[dreg:$0x2] =	wrdreg s24  }
0xb5: {  	[dreg:$0x3] =	wrdreg s16  }
0xb6: {  	[dreg:$0x4] =	wrdreg $0x2B000  }
0xb7: {  	[dreg:$0x5] =	wrdreg $0x9  }
0xb8: {  	_ =	task.clear_ibuf [dreg:s7], $0x6FFFF;
	_ =	strace $0x90000046  }
0xb9: {  	s29 =	simm.s32 $0x9;
	_ =	strace $0x80000048  }
0xba: {  	_ =	swait.ge [sflag:s29], $0x1  }
0xbb: {  	[sflag:s29] =	ssyncadd.s32 $0xFFFFFFFF  }
0xbc: {  	_ =	strace $0x90000048  }
0xbd: {  	_ =	sfence  }
0xbe: {  	s30 =	sld [smem:$0x0];
	_ =	sdelay $0x2  }
0xbf: {  	s31 =	sshll.u32 s1, $0xD;
	s1 =	sshrl.u32 s1, $0x2  }
0xc0: {  	s3 =	sand.u32 $0x4000, s31;
	s1 =	sadd.s32 s1, s30  }
0xc1: {  	s0 =	sor.u32 s3, s0;
	s1 =	sshll.u32 s1, $0x11  }
0xc2: {  	s0 =	sor.u32 s1, s0  }
0xc3: {  	s0 =	sadd.s32 $0x8F2B, s0  }
0xc4: {  	[sflag:s0] =	ssyncadd.remote.s32 $0x1  }
0xc5: {  	_ =	sfence.sel $0xFFFF  }
0xc6: {  	[dreg:$0x0] =	wrdreg $0xFFFFFFFF;
	(pc) =	sbr.abs _section_cstart, $3  }
0xc7: {  	[dreg:$0x1] =	wrdreg $0xFFFFFFFF  }
0xc8: {  	_ =	task.clear_ibuf [dreg:s7], $0x2FFFF;
	_ =	strace $0x9FFFFFFF  }
0xc9: {  	(tm) =	ssettm $0x7FFFFFFF  }
tec
execute0_lowered:
.L_overlay_start_1:
0x0: {  	(tag) =	ssettag $0x1  }
0x1: {  	s4 =	rddreg [dreg:$0x0]  }
0x2: {  	s6 =	rddreg [dreg:$0x1];
	s0 =	srdreg.scid  }
0x3: {  	s2 =	rddreg [dreg:$0x2];
	s1 =	stileid.u32;
	s3 =	simm.s32 $0x0  }
0x4: {  	s11 =	simm.s32 $0x2800;
	s12 =	simm.s32 $0x0;
	s5 =	sand.u32 $0x1, s0  }
0x5: {  	s0 =	rddreg [dreg:$0x3];
	s8 =	smul.u32 $0x280, s1;
	s7 =	sshll.u32 s5, $0x4  }
0x6: {  	s9 =	smul.u32 $0x2800, s5;
	s5 =	ssub.s32 $0x2, s5;
	s7 =	sor.u32 s1, s7  }
0x7: {  	[smem:$0x7FF] =	sst s3;
	s10 =	sshrl.u32 s5, $0x1;
	s7 =	smul.u32 $0x500, s7  }
0x8: {  	_ =	strace $0x80000047;
	s9 =	sadd.s32 s8, s9;
	s10 =	ssub.s32 s5, s10  }
0x9: {  	s9 =	sshrl.u32 s9, $0x3;
	s7 =	sadd.s32 s7, s4;
	s4 =	sadd.s32 s8, s2  }
0xa: {  	s6 =	sadd.s32 s6, s9;
	s8 =	simm.s32 $0x2880;
	s9 =	simm.s32 $0x1  }
0xb: {  	v0 =	vimm.f32 $1.000000000e+00;
	v1 =	vimm.f32 $0.0e+00;
	s5 =	sadd.s32 $0x3E00, s7;
	s7 =	smax.u32 s10, $0x1;
	s10 =	simm.s32 $0x7D  }
.LBB2_1:
0xc: {  	[tilespmem:$0x2800] =	vst v0  }
0xd: {  	[tilespmem:$0x2810] =	vst v0  }
0xe: {  	[tilespmem:$0x2820] =	vst v0  }
0xf: {  	[tilespmem:$0x2830] =	vst v0  }
0x10: {  	[tilespmem:$0x2840] =	vst v0  }
0x11: {  	[tilespmem:$0x2850] =	vst v0  }
0x12: {  	[tilespmem:$0x2860] =	vst v0  }
0x13: {  	[tilespmem:$0x2870] =	vst v0  }
0x14: {  	[tilespmem:$0x2880] =	vst v1  }
0x15: {  	[tilespmem:$0x2890] =	vst v1  }
0x16: {  	[tilespmem:$0x28A0] =	vst v1  }
0x17: {  	[tilespmem:$0x28B0] =	vst v1  }
0x18: {  	[tilespmem:$0x28C0] =	vst v1  }
0x19: {  	[tilespmem:$0x28D0] =	vst v1  }
0x1a: {  	[tilespmem:$0x28E0] =	vst v1  }
0x1b: {  	[tilespmem:$0x28F0] =	vst v1  }
0x1c: {  	[tilespmem:$0x2900] =	vst v1  }
0x1d: {  	[tilespmem:$0x2910] =	vst v1  }
0x1e: {  	[tilespmem:$0x2920] =	vst v1  }
0x1f: {  	[tilespmem:$0x2930] =	vst v1  }
0x20: {  	[tilespmem:$0x2940] =	vst v1  }
0x21: {  	[tilespmem:$0x2950] =	vst v1  }
0x22: {  	[tilespmem:$0x2960] =	vst v1  }
0x23: {  	[tilespmem:$0x2970] =	vst v1  }
0x24: {  	[tilespmem:$0x2980] =	vst v1  }
0x25: {  	[tilespmem:$0x2990] =	vst v1  }
0x26: {  	[tilespmem:$0x29A0] =	vst v1  }
0x27: {  	[tilespmem:$0x29B0] =	vst v1  }
0x28: {  	[tilespmem:$0x29C0] =	vst v1  }
0x29: {  	[tilespmem:$0x29D0] =	vst v1  }
0x2a: {  	[tilespmem:$0x29E0] =	vst v1  }
0x2b: {  	[tilespmem:$0x29F0] =	vst v1  }
0x2c: {  	[tilespmem:$0x2A00] =	vst v1  }
0x2d: {  	[tilespmem:$0x2A10] =	vst v1  }
0x2e: {  	[tilespmem:$0x2A20] =	vst v1  }
0x2f: {  	[tilespmem:$0x2A30] =	vst v1  }
0x30: {  	[tilespmem:$0x2A40] =	vst v1  }
0x31: {  	[tilespmem:$0x2A50] =	vst v1  }
0x32: {  	[tilespmem:$0x2A60] =	vst v1  }
0x33: {  	[tilespmem:$0x2A70] =	vst v1  }
0x34: {  	[tilespmem:$0x2A80] =	vst v1  }
0x35: {  	[tilespmem:$0x2A90] =	vst v1  }
0x36: {  	[tilespmem:$0x2AA0] =	vst v1  }
0x37: {  	[tilespmem:$0x2AB0] =	vst v1  }
0x38: {  	[tilespmem:$0x2AC0] =	vst v1  }
0x39: {  	[tilespmem:$0x2AD0] =	vst v1  }
0x3a: {  	[tilespmem:$0x2AE0] =	vst v1  }
0x3b: {  	[tilespmem:$0x2AF0] =	vst v1  }
0x3c: {  	[spmem:s4] =	stream.linear.scatter [tilespmem:s8], [sflag:$0x1], $0x280, $0x38;
	[tilespmem:$0x2D80] =	vst v63  }
0x3d: {  	_ =	swait.ge [sflag:s9], $0x280  }
0x3e: {  	[sflag:s9] =	ssyncset.done $0x0  }
0x3f: {  	[sflag:s9] =	ssyncadd.s32 $0xFFFFFD80  }
0x40: {  	[tilespmem:s3], [sflag:$0x1] =	stream.linear.gather [hbm4b:s5+s3], $0x2800, $0x38;
	[tilespmem:$0x2D80] =	vst v63  }
0x41: {  	_ =	swait.ge [sflag:s9], $0x2800  }
0x42: {  	[sflag:s9] =	ssyncset.done $0x0  }
0x43: {  	[sflag:s9] =	ssyncadd.s32 $0xFFFFD800  }
0x44: {  	s13 =	simm.s32 $0x0;
	[bflag:$0x0] =	sbarrier.arrive $0xFFFF  }
0x45: {  	[spmem:s2] =	stream.indirect.scatter.add.f32 [tilespmem:s11], [sflag:$0x1], $0x1, s13, s10, $0xb8;
	[tilespmem:$0x2D80] =	vst v63  }
0x46: {  	_ =	swait.ge [sflag:s9], $0x7D  }
0x47: {  	s13 =	simm.s32 $0x200;
	[sflag:s9] =	ssyncset.done $0x0  }
.LBB2_2:
0x48: {  	s14 =	sshra.s32 s13, $0x2;
	[sflag:s9] =	ssyncadd.s32 $0xFFFFFF83;
	p0 =	sne.s32 s13, $0x9E00  }
0x49: {  	[spmem:s2] =	stream.indirect.scatter.add.f32 [tilespmem:s11], [sflag:$0x1], $0x1, s14, s10, $0xb8;
	[tilespmem:$0x2D80] =	vst v63  }
.Ltmp0:
0x4a: {  	_ = 	snop;
	(pc) =	sbr.rel @p0 .LBB2_2-.Ltmp0, $4  }
0x4b: {  	_ = 	snop  }
0x4c: {  	s13 =	sadd.s32 $0x200, s13  }
0x4d: {  	_ =	swait.ge [sflag:s9], $0x7D  }
0x4e: {  	[sflag:s9] =	ssyncset.done $0x0  }
0x4f: {  	[sflag:s9] =	ssyncadd.s32 $0xFFFFFF83  }
0x50: {  	[bflag:$0x0] =	sbarrier.arrive $0xFFFF  }
0x51: {  	[tilespmem:s8], [sflag:$0x1] =	stream.linear.gather [spmem:s4], $0x280, $0x38;
	[tilespmem:$0x2D80] =	vst v63  }
0x52: {  	s12 =	sadd.s32 $0x1, s12;
	_ =	swait.ge [sflag:s9], $0x280  }
0x53: {  	p0 =	sne.s32 s12, s7;
	[sflag:s9] =	ssyncset.done $0x0  }
.Ltmp1:
0x54: {  	[sflag:s9] =	ssyncadd.s32 $0xFFFFFD80;
	(pc) =	sbr.rel @p0 .LBB2_1-.Ltmp1, $4  }
0x55: {  	[hbm4b:s6+s3] =	stream.linear.scatter [tilespmem:s8], [sflag:$0x1], $0x280, $0x38;
	[tilespmem:$0x2D80] =	vst v63  }
0x56: {  	_ =	swait.ge [sflag:s9], $0x280  }
0x57: {  	[sflag:s9] =	ssyncset.done $0x0  }
0x58: {  	[sflag:s9] =	ssyncadd.s32 $0xFFFFFD80  }
0x59: {  	_ =	sfence.sel $0x180000  }
0x5a: {  	[bflag:$0x0] =	sbarrier.arrive $0xFFFF  }
0x5b: {  	p0 =	sne.s32 s1, $0x0;
	_ =	strace $0x90000047  }
0x5c: {  	s0 =	sadd.s32 @!p0 $0x100000, s0;
	[bflag:$0x2] =	sbarrier.arrive $0xFFFF  }
0x5d: {  	[sflag:s0] =	ssyncadd.tile.s32 @!p0 $0x1;
	_ =	shalt  }
.Lfunc_end2:
_tile_overlayer_lowered:
.L_overlay_start_2:
0x5e: {  	(tag) =	ssettag $0x2  }
0x5f: {  	s0 =	rddreg [dreg:$0x0];
	s2 =	stileid.u32  }
0x60: {  	s1 =	rddreg [dreg:$0x1];
	p0 =	sne.s32 s2, $0x0  }
0x61: {  	s3 =	rddreg [dreg:$0x2];
	[bflag:$0x3] =	sbarrier.arrive $0xFFFF;
	s2 =	simm.s32 @!p0 $0x1C01  }
0x62: {  	[timem:s3], [sflag:s2] =	dma.local @!p0 [hbm:s0], s1  }
0x63: {  	s0 =	simm.s32 @!p0 $0x1  }
0x64: {  	_ =	swait.ge @!p0 [sflag:s0], s1  }
0x65: {  	s1 =	ssub.s32 @!p0 $0x0, s1;
	[sflag:s0] =	ssyncset.done @!p0 $0x0  }
0x66: {  	[sflag:s0] =	ssyncadd.s32 @!p0 s1  }
0x67: {  	[bflag:$0x3] =	sbarrier.arrive $0xFFFF  }
0x68: {  	_ =	shalt  }

// kernel: gcn_msg_pass.4.cloned.1.call-start
scs
__scs_entry_jumppad:
0x0: {  	(pc) =	sbr.rel $0x88, $3  }
0x1: {  	(tag) =	ssettag $0x0;
	lr =	simm.s32 $0x1  }
0x2: {  	[smem:$0x3F94] =	sst lr;
	_ =	strace $0xD0000000  }
0x3: {  	_ = 	snop  }
0x4: {  	_ = 	snop  }
0x5: {  	_ = 	snop  }
0x6: {  	_ = 	snop  }
0x7: {  	_ = 	snop  }
__scs_overlays_trampoline_lowered:
0x8: {  	[smem:$0x3FA3] =	sst s0  }
0x9: {  	[smem:$0x3FA4] =	sst s1  }
0xa: {  	[smem:$0x3FA5] =	sst s2  }
0xb: {  	[smem:$0x3FA6] =	sst s3  }
0xc: {  	[smem:$0x3FA7] =	sst s4  }
0xd: {  	[smem:$0x3FA8] =	sst s5  }
0xe: {  	[smem:$0x3FA9] =	sst s6  }
0xf: {  	[smem:$0x3FAA] =	sst s7  }
0x10: {  	[smem:$0x3FAB] =	sst s8  }
0x11: {  	[smem:$0x3FAC] =	sst s9;
	s0 =	simm.s32 @!p0 $0x0  }
0x12: {  	s1 =	sld [smem:$0x3F92];
	s0 =	simm.s32 @p0 $0x1  }
0x13: {  	[smem:$0x3FAD] =	sst s0;
	s0 =	simm.s32 @!p1 $0x0  }
0x14: {  	s2 =	sld [smem:$0x3F91];
	s0 =	simm.s32 @p1 $0x1  }
0x15: {  	[smem:$0x3FAE] =	sst s0;
	s0 =	simm.s32 @!p2 $0x0  }
0x16: {  	s3 =	sld [smem:$0x3FDB];
	s0 =	simm.s32 @p2 $0x1  }
0x17: {  	s4 =	simm.s32 $0x1BF5;
	[smem:$0x3FB0] =	sst s0  }
0x18: {  	s0 =	sld [smem:$0x3F93];
	_ =	swait.ge [sflag:s4], $0x0  }
0x19: {  	s7 =	sld [smem:$0x3F94]  }
0x1a: {  	s8 =	sadd.s32 $0xFFFFE003, lr  }
0x1b: {  	s9 =	sadd.s32 $0xFFFFFEF7, lr;
	s5 =	simm.s32 $0xFFFFFFFF;
	p2 =	slt.u32 s8, $0xFFFFF086  }
0x1c: {  	p1 =	slt.u32 s9, $0xF7A;
	s5 =	simm.s32 @!p2 $0x0  }
0x1d: {  	s5 =	simm.s32 @p1 $0x1;
	p0 =	seq.s32 s7, s2  }
0x1e: {  	s7 =	smul.u32 @!p0 $0xF7A, s2;
	p2 =	seq.s32 @!p0 s5, $0x0  }
0x1f: {  	s9 =	smul.u32 $0xF7A, s1;
	s8 =	simm.s32 @!p0 $0x1BF5;
	p2 =	por !p2, p0  }
0x20: {  	[sflag:s8] =	ssyncset.s32 @!p0 $0xFFFFF086;
	s6 =	sadd.s32 @!p0 s3, s7;
	s7 =	simm.s32 @!p0 $0x108  }
0x21: {  	s3 =	sadd.s32 s3, s9;
	s6 =	sadd.s32 @!p0 $0x88, s6;
	s7 =	simm.s32 @p2 $0x1082  }
0x22: {  	[simem:s7], [sflag:s8] =	dma.local @!p0 [hbm:s6], $0xF7A  }
0x23: {  	s9 =	sor.u32 $0xD0000000, s2;
	s6 =	simm.s32 $0x108;
	_ =	swait.ge @!p0 [sflag:s8], $0x0  }
0x24: {  	s3 =	sadd.s32 $0x88, s3;
	s6 =	simm.s32 @!p1 $0x1082;
	[sflag:s4] =	ssyncset.s32 $0xFFFFF086  }
0x25: {  	[simem:s6], [sflag:s4] =	dma.local [hbm:s3], $0xF7A  }
0x26: {  	[smem:$0x3F94] =	sst s1;
	(tag) =	ssettag s2;
	_ =	strace s9  }
0x27: {  	s1 =	sld [smem:$0x3FA4]  }
0x28: {  	s2 =	sld [smem:$0x3FA5]  }
0x29: {  	s4 =	sld [smem:$0x3FA7]  }
0x2a: {  	p0 =	seq.s32 s5, $0x0;
	s5 =	sld [smem:$0x3FA8]  }
0x2b: {  	s6 =	sld [smem:$0x3FA9]  }
0x2c: {  	s7 =	sld [smem:$0x3FAA]  }
0x2d: {  	s3 =	simm.s32 $0x108;
	s8 =	sld [smem:$0x3FAB]  }
0x2e: {  	s3 =	simm.s32 @!p0 $0x1082;
	s9 =	sld [smem:$0x3FAC]  }
0x2f: {  	lr =	sadd.s32 s0, s3;
	s0 =	sld [smem:$0x3FA3]  }
0x30: {  	s3 =	sld [smem:$0x3FA6]  }
0x31: {  	[smem:$0x3FAF] =	sst s10  }
0x32: {  	s10 =	sld [smem:$0x3FAD];
	_ =	sdelay $0x3  }
0x33: {  	p0 =	seq.s32 s10, $0x1;
	s10 =	sld [smem:$0x3FAF];
	_ =	sdelay $0x3  }
0x34: {  	[smem:$0x3FAF] =	sst s10  }
0x35: {  	s10 =	sld [smem:$0x3FAE];
	_ =	sdelay $0x3  }
0x36: {  	p1 =	seq.s32 s10, $0x1;
	s10 =	sld [smem:$0x3FAF];
	_ =	sdelay $0x3  }
0x37: {  	[smem:$0x3FAF] =	sst s10  }
0x38: {  	s10 =	sld [smem:$0x3FB0]  }
0x39: {  	_ = 	snop;
	(pc) =	sbr.ind lr, $3  }
0x3a: {  	_ = 	snop  }
0x3b: {  	_ = 	snop  }
0x3c: {  	p2 =	seq.s32 s10, $0x1;
	s10 =	sld [smem:$0x3FAF]  }
0x3d: {  	_ =	shalt  }
0x3e: {  	_ =	shalt  }
0x3f: {  	_ =	shalt  }
0x40: {  	_ =	shalt  }
0x41: {  	_ =	shalt  }
0x42: {  	_ =	shalt  }
0x43: {  	_ =	shalt  }
0x44: {  	_ =	shalt  }
0x45: {  	_ =	shalt  }
0x46: {  	_ =	shalt  }
0x47: {  	_ =	shalt  }
0x48: {  	_ =	shalt  }
0x49: {  	_ =	shalt  }
0x4a: {  	_ =	shalt  }
0x4b: {  	_ =	shalt  }
0x4c: {  	_ =	shalt  }
0x4d: {  	_ =	shalt  }
0x4e: {  	_ =	shalt  }
0x4f: {  	_ =	shalt  }
0x50: {  	_ =	shalt  }
0x51: {  	_ =	shalt  }
0x52: {  	_ =	shalt  }
0x53: {  	_ =	shalt  }
0x54: {  	_ =	shalt  }
0x55: {  	_ =	shalt  }
0x56: {  	_ =	shalt  }
0x57: {  	_ =	shalt  }
0x58: {  	_ =	shalt  }
0x59: {  	_ =	shalt  }
0x5a: {  	_ =	shalt  }
0x5b: {  	_ =	shalt  }
0x5c: {  	_ =	shalt  }
0x5d: {  	_ =	shalt  }
0x5e: {  	_ =	shalt  }
0x5f: {  	_ =	shalt  }
0x60: {  	_ =	shalt  }
0x61: {  	_ =	shalt  }
0x62: {  	_ =	shalt  }
0x63: {  	_ =	shalt  }
0x64: {  	_ =	shalt  }
0x65: {  	_ =	shalt  }
0x66: {  	_ =	shalt  }
0x67: {  	_ =	shalt  }
0x68: {  	_ =	shalt  }
0x69: {  	_ =	shalt  }
0x6a: {  	_ =	shalt  }
0x6b: {  	_ =	shalt  }
0x6c: {  	_ =	shalt  }
0x6d: {  	_ =	shalt  }
0x6e: {  	_ =	shalt  }
0x6f: {  	_ =	shalt  }
0x70: {  	_ =	shalt  }
0x71: {  	_ =	shalt  }
0x72: {  	_ =	shalt  }
0x73: {  	_ =	shalt  }
0x74: {  	_ =	shalt  }
0x75: {  	_ =	shalt  }
0x76: {  	_ =	shalt  }
0x77: {  	_ =	shalt  }
0x78: {  	_ =	shalt  }
0x79: {  	_ =	shalt  }
0x7a: {  	_ =	shalt  }
0x7b: {  	_ =	shalt  }
0x7c: {  	_ =	shalt  }
0x7d: {  	_ =	shalt  }
0x7e: {  	_ =	shalt  }
0x7f: {  	_ =	shalt  }
0x80: {  	_ =	shalt  }
0x81: {  	_ =	shalt  }
0x82: {  	_ =	shalt  }
0x83: {  	_ =	shalt  }
0x84: {  	_ =	shalt  }
0x85: {  	_ =	shalt  }
0x86: {  	_ =	shalt  }
0x87: {  	_ =	shalt  }
.Lfunc_end0:
.L_simem_size_0:
called_computation.1_lowered:
.L_overlay_start_0:
0x88: {  	s2 =	sld [smem:$0x3FD9]  }
0x89: {  	s3 =	sld [smem:$0x3FFE];
	_ =	sdelay $0x1  }
0x8a: {  	s1 =	srdreg.scid  }
0x8b: {  	s0 =	sand.u32 $0x1, s1  }
0x8c: {  	s16 =	sshll.u32 s0, $0xA;
	s2 =	sadd.s32 s3, s2  }
0x8d: {  	s2 =	sadd.s32 s2, s16  }
0x8e: {  	[smem:$0x3FBB] =	sst s2  }
0x8f: {  	_ = 	snop  }
0x90: {  	(tm) =	ssettm $0x1  }
0x91: {  	s17 =	sld [smem:$0x3FFB];
	_ =	sdelay $0x3  }
0x92: {  	_ =	strace s17  }
0x93: {  	s2 =	sld [smem:$0x3FFC];
	_ =	sdelay $0x3  }
0x94: {  	_ =	strace s2  }
0x95: {  	s2 =	sld [smem:$0x3FFD];
	_ =	sdelay $0x3  }
0x96: {  	_ =	strace s2  }
0x97: {  	_ =	strace $0x8FFFFFFF  }
0x98: {  	s18 =	sld [smem:$0x3FDB];
	_ =	sdelay $0x1  }
0x99: {  	s19 =	simm.s32 $_scs_section_size  }
0x9a: {  	s4 =	simm.s32 $_size__tile_overlayer_lowered;
	s5 =	simm.s32 $_tile_overlayer_lowered  }
0x9b: {  	s22 =	simm.s32 $0x1BFF;
	s21 =	sshll.u32 s5, $0x1;
	s2 =	sadd.s32 s19, s18  }
0x9c: {  	s6 =	simm.s32 $0x0;
	s20 =	sshll.u32 s4, $0x1;
	s4 =	sadd.s32 s21, s2  }
0x9d: {  	[timem:s6], [sflag:s22] =	dma.local [hbm:s4], s20  }
0x9e: {  	_ =	swait.ge [sflag:s22], s20  }
0x9f: {  	s3 =	ssub.s32 $0x0, s20;
	[sflag:s22] =	ssyncset.done $0x0  }
0xa0: {  	[sflag:s22] =	ssyncadd.s32 s3;
	_ =	sdelay $0x1  }
0xa1: {  	s23 =	simm.s32 $0x1B8B  }
0xa2: {  	_ =	swait.ge [sflag:s23], $0x1  }
0xa3: {  	[sflag:s23] =	ssyncset.done $0x0  }
0xa4: {  	s25 =	simm.s32 $0x1B8E;
	s24 =	sld [smem:$0x3FFE];
	[sflag:s23] =	ssyncadd.s32 $0xFFFFFFFF  }
0xa5: {  	s26 =	simm.s32 $execute0_lowered;
	[smem:$0x3FD2] =	sst s25  }
0xa6: {  	s4 =	sshll.u32 s26, $0x1;
	_ =	strace $0x80000049;
	[dreg:$0x1] =	wrdreg $0xFFFFFFFF  }
0xa7: {  	s28 =	simm.s32 $_size_execute0_lowered;
	s2 =	sadd.s32 s2, s4;
	[dreg:$0x0] =	wrdreg $0x0  }
0xa8: {  	s4 =	sshll.u32 s28, $0x1;
	[dreg:$0x2] =	wrdreg s2  }
0xa9: {  	[dreg:$0x3] =	wrdreg s4  }
0xaa: {  	[dreg:$0x4] =	wrdreg $0xC0  }
0xab: {  	_ =	task [dreg:s6], $0x5FFFF  }
0xac: {  	[dreg:$0x1] =	wrdreg $0xFFFFFFFF  }
0xad: {  	[dreg:$0x0] =	wrdreg $0x60  }
0xae: {  	[dreg:$0x2] =	wrdreg s24  }
0xaf: {  	[dreg:$0x3] =	wrdreg $0x8E800  }
0xb0: {  	[dreg:$0x4] =	wrdreg $0x9  }
0xb1: {  	_ =	task.clear_ibuf [dreg:s6], $0x5FFFF;
	_ =	strace $0x90000049  }
0xb2: {  	s29 =	simm.s32 $0x9;
	_ =	strace $0x8000004B  }
0xb3: {  	_ =	swait.ge [sflag:s29], $0x1  }
0xb4: {  	[sflag:s29] =	ssyncadd.s32 $0xFFFFFFFF  }
0xb5: {  	_ =	strace $0x9000004B  }
0xb6: {  	_ =	sfence  }
0xb7: {  	s30 =	sld [smem:$0x0];
	_ =	sdelay $0x2  }
0xb8: {  	s31 =	sshll.u32 s1, $0xD;
	s1 =	sshrl.u32 s1, $0x2  }
0xb9: {  	s3 =	sand.u32 $0x4000, s31;
	s1 =	sadd.s32 s1, s30  }
0xba: {  	s0 =	sor.u32 s3, s0;
	s1 =	sshll.u32 s1, $0x11  }
0xbb: {  	s0 =	sor.u32 s1, s0  }
0xbc: {  	s0 =	sadd.s32 $0x8F2B, s0  }
0xbd: {  	[sflag:s0] =	ssyncadd.remote.s32 $0x1  }
0xbe: {  	_ =	sfence.sel $0xFFFF  }
0xbf: {  	[dreg:$0x0] =	wrdreg $0xFFFFFFFF;
	(pc) =	sbr.abs _section_cstart, $3  }
0xc0: {  	[dreg:$0x1] =	wrdreg $0xFFFFFFFF  }
0xc1: {  	_ =	task.clear_ibuf [dreg:s6], $0x2FFFF;
	_ =	strace $0x9FFFFFFF  }
0xc2: {  	(tm) =	ssettm $0x7FFFFFFF  }
0xc3: {  	_ =	shalt  }
tec
execute0_lowered:
.L_overlay_start_1:
0x0: {  	(tag) =	ssettag $0x1  }
0x1: {  	s6 =	rddreg [dreg:$0x0]  }
0x2: {  	s0 =	srdreg.scid;
	s2 =	rddreg [dreg:$0x1];
	s3 =	simm.s32 $0x0  }
0x3: {  	s13 =	simm.s32 $0x2800;
	s14 =	simm.s32 $0x7D;
	s15 =	simm.s32 $0x5000  }
0x4: {  	s16 =	simm.s32 $0x80;
	s17 =	simm.s32 $0x6F40;
	s18 =	simm.s32 $0x1  }
0x5: {  	s19 =	simm.s32 $0x2;
	s20 =	simm.s32 $0x3;
	s21 =	simm.s32 $0x4  }
0x6: {  	s22 =	simm.s32 $0x4F00;
	s23 =	simm.s32 $0x4F80;
	s24 =	simm.s32 $0x0  }
0x7: {  	s5 =	sand.u32 $0x1, s0;
	s0 =	stileid.u32;
	[smem:$0x7FF] =	sst s3  }
0x8: {  	s4 =	sadd.s32 $0x17E00, s6;
	s1 =	sshll.u32 s5, $0x4;
	s8 =	smul.u32 $0x9C40, s0  }
0x9: {  	s9 =	smul.u32 $0x9C400, s5;
	s5 =	ssub.s32 $0x2, s5;
	s1 =	sor.u32 s0, s1  }
0xa: {  	s31 =	sshll.u32 s0, $0x6;
	s11 =	sshrl.u32 s5, $0x1;
	s7 =	smul.u32 $0x500, s1  }
0xb: {  	s1 =	rddreg [dreg:$0x2];
	_ =	strace $0x8000004A;
	s30 =	sshrl.u32 s8, $0x3  }
0xc: {  	s9 =	sadd.s32 s8, s9;
	s11 =	ssub.s32 s5, s11;
	s12 =	sadd.s32 s8, s2  }
0xd: {  	s9 =	sshrl.u32 s9, $0x3;
	s10 =	sadd.s32 s7, s6;
	s7 =	sadd.s32 s30, s6  }
0xe: {  	s9 =	sadd.s32 s9, s6;
	s6 =	sor.u32 $0x1C05, s31;
	s5 =	sadd.s32 $0x2B800, s7  }
0xf: {  	s7 =	sadd.s32 $0xDE00, s10;
	s8 =	sadd.s32 $0x3E00, s10;
	s9 =	sadd.s32 $0x3F200, s9  }
0x10: {  	s10 =	smax.u32 s11, $0x1;
	s11 =	sshrl.u32 s12, $0x3;
	s12 =	simm.s32 $0x5  }
.LBB2_1:
0x11: {  	[spmem:s11], [sflag:s6] =	dma.local [hbm:s5], $0x1388  }
0x12: {  	_ =	swait.ge [sflag:s12], $0x1388  }
0x13: {  	[sflag:s12] =	ssyncset.done $0x0  }
0x14: {  	[sflag:s12] =	ssyncadd.s32 $0xFFFFEC78  }
0x15: {  	[tilespmem:s3], [sflag:$0x5] =	stream.linear.gather [hbm4b:s7+s3], $0x2800, $0x38;
	[tilespmem:$0x12AC0] =	vst v63  }
0x16: {  	_ =	swait.ge [sflag:s12], $0x2800  }
0x17: {  	[sflag:s12] =	ssyncset.done $0x0  }
0x18: {  	[sflag:s12] =	ssyncadd.s32 $0xFFFFD800  }
0x19: {  	[tilespmem:s13], [sflag:$0x5] =	stream.linear.gather [hbm4b:s8+s3], $0x2800, $0x38;
	[tilespmem:$0x12AC0] =	vst v63  }
0x1a: {  	_ =	swait.ge [sflag:s12], $0x2800  }
0x1b: {  	[sflag:s12] =	ssyncset.done $0x0  }
0x1c: {  	[sflag:s12] =	ssyncadd.s32 $0xFFFFD800  }
0x1d: {  	[bflag:$0x0] =	sbarrier.arrive $0xFFFF  }
0x1e: {  	[tilespmem:s15], [sflag:$0x1] =	stream.indirect.gather [hbm4b:s4+s14], $0x40, s3, s14, $0xb8;
	[tilespmem:$0x12AC0] =	vst v63  }
0x1f: {  	_ = 	snop  }
0x20: {  	[tilespmem:s17], [sflag:$0x2] =	stream.indirect.gather [hbm4b:s4+s14], $0x40, s16, s14, $0xb8;
	[tilespmem:$0x12AC0] =	vst v63  }
0x21: {  	_ =	swait.ge [sflag:s18], $0x1F40  }
0x22: {  	[sflag:s18] =	ssyncset.done $0x0  }
0x23: {  	s25 =	simm.s32 $0x2800;
	[sflag:s18] =	ssyncadd.s32 $0xFFFFE0C0  }
0x24: {  	[spmem:s2] =	stream.indirect.scatter.add.f32 [tilespmem:s15], [sflag:$0x3], $0x40, s25, s14, $0xb8;
	[tilespmem:$0x12AC0] =	vst v63  }
0x25: {  	_ =	swait.ge [sflag:s19], $0x1F40  }
0x26: {  	[sflag:s19] =	ssyncset.done $0x0  }
0x27: {  	s30 =	simm.s32 $0x2880;
	[sflag:s19] =	ssyncadd.s32 $0xFFFFE0C0  }
0x28: {  	[spmem:s2] =	stream.indirect.scatter.add.f32 [tilespmem:s17], [sflag:$0x4], $0x40, s30, s14, $0xb8;
	[tilespmem:$0x12AC0] =	vst v63  }
0x29: {  	_ =	swait.ge [sflag:s20], $0x1F40  }
0x2a: {  	[sflag:s20] =	ssyncset.done $0x0  }
0x2b: {  	s31 =	simm.s32 $0x100;
	[sflag:s20] =	ssyncadd.s32 $0xFFFFE0C0  }
0x2c: {  	[tilespmem:s15], [sflag:$0x1] =	stream.indirect.gather [hbm4b:s4+s14], $0x40, s31, s14, $0xb8;
	[tilespmem:$0x12AC0] =	vst v63  }
0x2d: {  	_ =	swait.ge [sflag:s21], $0x1F40  }
0x2e: {  	[sflag:s21] =	ssyncset.done $0x0  }
0x2f: {  	s26 =	simm.s32 $0x180;
	s25 =	simm.s32 $0x400;
	[sflag:s21] =	ssyncadd.s32 $0xFFFFE0C0  }
.LBB2_2:
0x30: {  	[tilespmem:s17], [sflag:$0x2] =	stream.indirect.gather [hbm4b:s4+s14], $0x40, s26, s14, $0xb8;
	[tilespmem:$0x12AC0] =	vst v63  }
0x31: {  	s26 =	smov.u32 s25  }
0x32: {  	p0 =	sne.s32 s25, $0x9800;
	s25 =	sadd.s32 $0x400, s25;
	_ =	swait.ge [sflag:s18], $0x1F40  }
0x33: {  	s26 =	sshra.s32 s26, $0x2;
	[sflag:s18] =	ssyncset.done $0x0  }
0x34: {  	s28 =	sadd.s32 $0x2800, s26;
	[sflag:s18] =	ssyncadd.s32 $0xFFFFE0C0  }
0x35: {  	[spmem:s2] =	stream.indirect.scatter.add.f32 [tilespmem:s15], [sflag:$0x3], $0x40, s28, s14, $0xb8;
	[tilespmem:$0x12AC0] =	vst v63  }
0x36: {  	_ =	swait.ge [sflag:s19], $0x1F40  }
0x37: {  	[sflag:s19] =	ssyncset.done $0x0  }
0x38: {  	s28 =	sadd.s32 $0x2880, s26;
	[sflag:s19] =	ssyncadd.s32 $0xFFFFE0C0  }
0x39: {  	[spmem:s2] =	stream.indirect.scatter.add.f32 [tilespmem:s17], [sflag:$0x4], $0x40, s28, s14, $0xb8;
	[tilespmem:$0x12AC0] =	vst v63  }
0x3a: {  	_ =	swait.ge [sflag:s20], $0x1F40  }
0x3b: {  	[sflag:s20] =	ssyncset.done $0x0  }
.Ltmp0:
0x3c: {  	s28 =	sadd.s32 $0x100, s26;
	[sflag:s20] =	ssyncadd.s32 $0xFFFFE0C0;
	(pc) =	sbr.rel @p0 .LBB2_2-.Ltmp0, $4  }
0x3d: {  	[tilespmem:s15], [sflag:$0x1] =	stream.indirect.gather [hbm4b:s4+s14], $0x40, s28, s14, $0xb8;
	[tilespmem:$0x12AC0] =	vst v63  }
0x3e: {  	_ =	swait.ge [sflag:s21], $0x1F40  }
0x3f: {  	[sflag:s21] =	ssyncset.done $0x0  }
0x40: {  	s26 =	sadd.s32 $0x180, s26;
	[sflag:s21] =	ssyncadd.s32 $0xFFFFE0C0  }
0x41: {  	[tilespmem:s17], [sflag:$0x2] =	stream.indirect.gather [hbm4b:s4+s14], $0x40, s26, s14, $0xb8;
	[tilespmem:$0x12AC0] =	vst v63  }
0x42: {  	_ =	swait.ge [sflag:s18], $0x1F40  }
0x43: {  	[sflag:s18] =	ssyncset.done $0x0  }
0x44: {  	[sflag:s18] =	ssyncadd.s32 $0xFFFFE0C0  }
0x45: {  	[spmem:s2] =	stream.indirect.scatter.add.f32 [tilespmem:s15], [sflag:$0x3], $0x40, s22, s14, $0xb8;
	[tilespmem:$0x12AC0] =	vst v63  }
0x46: {  	_ =	swait.ge [sflag:s19], $0x1F40  }
0x47: {  	[sflag:s19] =	ssyncset.done $0x0  }
0x48: {  	[sflag:s19] =	ssyncadd.s32 $0xFFFFE0C0  }
0x49: {  	[spmem:s2] =	stream.indirect.scatter.add.f32 [tilespmem:s17], [sflag:$0x4], $0x40, s23, s14, $0xb8;
	[tilespmem:$0x12AC0] =	vst v63  }
0x4a: {  	_ =	swait.ge [sflag:s20], $0x1F40  }
0x4b: {  	[sflag:s20] =	ssyncset.done $0x0  }
0x4c: {  	[sflag:s20] =	ssyncadd.s32 $0xFFFFE0C0  }
0x4d: {  	_ =	swait.ge [sflag:s21], $0x1F40  }
0x4e: {  	s24 =	sadd.s32 $0x1, s24;
	[sflag:s21] =	ssyncset.done $0x0  }
0x4f: {  	p0 =	sne.s32 s24, s10;
	[sflag:s21] =	ssyncadd.s32 $0xFFFFE0C0  }
.Ltmp1:
0x50: {  	[bflag:$0x0] =	sbarrier.arrive $0xFFFF;
	(pc) =	sbr.rel @p0 .LBB2_1-.Ltmp1, $4  }
0x51: {  	[hbm:s9], [sflag:s6] =	dma.local [spmem:s11], $0x1388  }
0x52: {  	_ =	swait.ge [sflag:s12], $0x1388  }
0x53: {  	[sflag:s12] =	ssyncset.done $0x0  }
0x54: {  	[sflag:s12] =	ssyncadd.s32 $0xFFFFEC78  }
0x55: {  	_ =	sfence.sel $0x180000  }
0x56: {  	[bflag:$0x0] =	sbarrier.arrive $0xFFFF  }
0x57: {  	p0 =	sne.s32 s0, $0x0;
	_ =	strace $0x9000004A  }
0x58: {  	s0 =	sadd.s32 @!p0 $0x100000, s1;
	[bflag:$0x2] =	sbarrier.arrive $0xFFFF  }
0x59: {  	[sflag:s0] =	ssyncadd.tile.s32 @!p0 $0x1;
	_ =	shalt  }
.Lfunc_end2:
_tile_overlayer_lowered:
.L_overlay_start_2:
0x5a: {  	(tag) =	ssettag $0x2  }
0x5b: {  	s0 =	rddreg [dreg:$0x0];
	s2 =	stileid.u32  }
0x5c: {  	s1 =	rddreg [dreg:$0x1];
	p0 =	sne.s32 s2, $0x0  }
0x5d: {  	s3 =	rddreg [dreg:$0x2];
	[bflag:$0x3] =	sbarrier.arrive $0xFFFF;
	s2 =	simm.s32 @!p0 $0x1C05  }
0x5e: {  	[timem:s3], [sflag:s2] =	dma.local @!p0 [hbm:s0], s1  }
0x5f: {  	s0 =	simm.s32 @!p0 $0x5  }
0x60: {  	_ =	swait.ge @!p0 [sflag:s0], s1  }
0x61: {  	s1 =	ssub.s32 @!p0 $0x0, s1;
	[sflag:s0] =	ssyncset.done @!p0 $0x0  }
0x62: {  	[sflag:s0] =	ssyncadd.s32 @!p0 s1  }
0x63: {  	[bflag:$0x3] =	sbarrier.arrive $0xFFFF  }
0x64: {  	_ =	shalt  }

// kernel: gcn_msg_pass.7.cloned.1.call-start
scs
__scs_entry_jumppad:
0x0: {  	(pc) =	sbr.rel $0x88, $3  }
0x1: {  	(tag) =	ssettag $0x0;
	lr =	simm.s32 $0x1  }
0x2: {  	[smem:$0x3F94] =	sst lr;
	_ =	strace $0xD0000000  }
0x3: {  	_ = 	snop  }
0x4: {  	_ = 	snop  }
0x5: {  	_ = 	snop  }
0x6: {  	_ = 	snop  }
0x7: {  	_ = 	snop  }
__scs_overlays_trampoline_lowered:
0x8: {  	[smem:$0x3FA3] =	sst s0  }
0x9: {  	[smem:$0x3FA4] =	sst s1  }
0xa: {  	[smem:$0x3FA5] =	sst s2  }
0xb: {  	[smem:$0x3FA6] =	sst s3  }
0xc: {  	[smem:$0x3FA7] =	sst s4  }
0xd: {  	[smem:$0x3FA8] =	sst s5  }
0xe: {  	[smem:$0x3FA9] =	sst s6  }
0xf: {  	[smem:$0x3FAA] =	sst s7  }
0x10: {  	[smem:$0x3FAB] =	sst s8  }
0x11: {  	[smem:$0x3FAC] =	sst s9;
	s0 =	simm.s32 @!p0 $0x0  }
0x12: {  	s1 =	sld [smem:$0x3F92];
	s0 =	simm.s32 @p0 $0x1  }
0x13: {  	[smem:$0x3FAD] =	sst s0;
	s0 =	simm.s32 @!p1 $0x0  }
0x14: {  	s2 =	sld [smem:$0x3F91];
	s0 =	simm.s32 @p1 $0x1  }
0x15: {  	[smem:$0x3FAE] =	sst s0;
	s0 =	simm.s32 @!p2 $0x0  }
0x16: {  	s3 =	sld [smem:$0x3FDB];
	s0 =	simm.s32 @p2 $0x1  }
0x17: {  	s4 =	simm.s32 $0x1BF5;
	[smem:$0x3FB0] =	sst s0  }
0x18: {  	s0 =	sld [smem:$0x3F93];
	_ =	swait.ge [sflag:s4], $0x0  }
0x19: {  	s7 =	sld [smem:$0x3F94]  }
0x1a: {  	s8 =	sadd.s32 $0xFFFFE003, lr  }
0x1b: {  	s9 =	sadd.s32 $0xFFFFFEF7, lr;
	s5 =	simm.s32 $0xFFFFFFFF;
	p2 =	slt.u32 s8, $0xFFFFF086  }
0x1c: {  	p1 =	slt.u32 s9, $0xF7A;
	s5 =	simm.s32 @!p2 $0x0  }
0x1d: {  	s5 =	simm.s32 @p1 $0x1;
	p0 =	seq.s32 s7, s2  }
0x1e: {  	s7 =	smul.u32 @!p0 $0xF7A, s2;
	p2 =	seq.s32 @!p0 s5, $0x0  }
0x1f: {  	s9 =	smul.u32 $0xF7A, s1;
	s8 =	simm.s32 @!p0 $0x1BF5;
	p2 =	por !p2, p0  }
0x20: {  	[sflag:s8] =	ssyncset.s32 @!p0 $0xFFFFF086;
	s6 =	sadd.s32 @!p0 s3, s7;
	s7 =	simm.s32 @!p0 $0x108  }
0x21: {  	s3 =	sadd.s32 s3, s9;
	s6 =	sadd.s32 @!p0 $0x88, s6;
	s7 =	simm.s32 @p2 $0x1082  }
0x22: {  	[simem:s7], [sflag:s8] =	dma.local @!p0 [hbm:s6], $0xF7A  }
0x23: {  	s9 =	sor.u32 $0xD0000000, s2;
	s6 =	simm.s32 $0x108;
	_ =	swait.ge @!p0 [sflag:s8], $0x0  }
0x24: {  	s3 =	sadd.s32 $0x88, s3;
	s6 =	simm.s32 @!p1 $0x1082;
	[sflag:s4] =	ssyncset.s32 $0xFFFFF086  }
0x25: {  	[simem:s6], [sflag:s4] =	dma.local [hbm:s3], $0xF7A  }
0x26: {  	[smem:$0x3F94] =	sst s1;
	(tag) =	ssettag s2;
	_ =	strace s9  }
0x27: {  	s1 =	sld [smem:$0x3FA4]  }
0x28: {  	s2 =	sld [smem:$0x3FA5]  }
0x29: {  	s4 =	sld [smem:$0x3FA7]  }
0x2a: {  	p0 =	seq.s32 s5, $0x0;
	s5 =	sld [smem:$0x3FA8]  }
0x2b: {  	s6 =	sld [smem:$0x3FA9]  }
0x2c: {  	s7 =	sld [smem:$0x3FAA]  }
0x2d: {  	s3 =	simm.s32 $0x108;
	s8 =	sld [smem:$0x3FAB]  }
0x2e: {  	s3 =	simm.s32 @!p0 $0x1082;
	s9 =	sld [smem:$0x3FAC]  }
0x2f: {  	lr =	sadd.s32 s0, s3;
	s0 =	sld [smem:$0x3FA3]  }
0x30: {  	s3 =	sld [smem:$0x3FA6]  }
0x31: {  	[smem:$0x3FAF] =	sst s10  }
0x32: {  	s10 =	sld [smem:$0x3FAD];
	_ =	sdelay $0x3  }
0x33: {  	p0 =	seq.s32 s10, $0x1;
	s10 =	sld [smem:$0x3FAF];
	_ =	sdelay $0x3  }
0x34: {  	[smem:$0x3FAF] =	sst s10  }
0x35: {  	s10 =	sld [smem:$0x3FAE];
	_ =	sdelay $0x3  }
0x36: {  	p1 =	seq.s32 s10, $0x1;
	s10 =	sld [smem:$0x3FAF];
	_ =	sdelay $0x3  }
0x37: {  	[smem:$0x3FAF] =	sst s10  }
0x38: {  	s10 =	sld [smem:$0x3FB0]  }
0x39: {  	_ = 	snop;
	(pc) =	sbr.ind lr, $3  }
0x3a: {  	_ = 	snop  }
0x3b: {  	_ = 	snop  }
0x3c: {  	p2 =	seq.s32 s10, $0x1;
	s10 =	sld [smem:$0x3FAF]  }
0x3d: {  	_ =	shalt  }
0x3e: {  	_ =	shalt  }
0x3f: {  	_ =	shalt  }
0x40: {  	_ =	shalt  }
0x41: {  	_ =	shalt  }
0x42: {  	_ =	shalt  }
0x43: {  	_ =	shalt  }
0x44: {  	_ =	shalt  }
0x45: {  	_ =	shalt  }
0x46: {  	_ =	shalt  }
0x47: {  	_ =	shalt  }
0x48: {  	_ =	shalt  }
0x49: {  	_ =	shalt  }
0x4a: {  	_ =	shalt  }
0x4b: {  	_ =	shalt  }
0x4c: {  	_ =	shalt  }
0x4d: {  	_ =	shalt  }
0x4e: {  	_ =	shalt  }
0x4f: {  	_ =	shalt  }
0x50: {  	_ =	shalt  }
0x51: {  	_ =	shalt  }
0x52: {  	_ =	shalt  }
0x53: {  	_ =	shalt  }
0x54: {  	_ =	shalt  }
0x55: {  	_ =	shalt  }
0x56: {  	_ =	shalt  }
0x57: {  	_ =	shalt  }
0x58: {  	_ =	shalt  }
0x59: {  	_ =	shalt  }
0x5a: {  	_ =	shalt  }
0x5b: {  	_ =	shalt  }
0x5c: {  	_ =	shalt  }
0x5d: {  	_ =	shalt  }
0x5e: {  	_ =	shalt  }
0x5f: {  	_ =	shalt  }
0x60: {  	_ =	shalt  }
0x61: {  	_ =	shalt  }
0x62: {  	_ =	shalt  }
0x63: {  	_ =	shalt  }
0x64: {  	_ =	shalt  }
0x65: {  	_ =	shalt  }
0x66: {  	_ =	shalt  }
0x67: {  	_ =	shalt  }
0x68: {  	_ =	shalt  }
0x69: {  	_ =	shalt  }
0x6a: {  	_ =	shalt  }
0x6b: {  	_ =	shalt  }
0x6c: {  	_ =	shalt  }
0x6d: {  	_ =	shalt  }
0x6e: {  	_ =	shalt  }
0x6f: {  	_ =	shalt  }
0x70: {  	_ =	shalt  }
0x71: {  	_ =	shalt  }
0x72: {  	_ =	shalt  }
0x73: {  	_ =	shalt  }
0x74: {  	_ =	shalt  }
0x75: {  	_ =	shalt  }
0x76: {  	_ =	shalt  }
0x77: {  	_ =	shalt  }
0x78: {  	_ =	shalt  }
0x79: {  	_ =	shalt  }
0x7a: {  	_ =	shalt  }
0x7b: {  	_ =	shalt  }
0x7c: {  	_ =	shalt  }
0x7d: {  	_ =	shalt  }
0x7e: {  	_ =	shalt  }
0x7f: {  	_ =	shalt  }
0x80: {  	_ =	shalt  }
0x81: {  	_ =	shalt  }
0x82: {  	_ =	shalt  }
0x83: {  	_ =	shalt  }
0x84: {  	_ =	shalt  }
0x85: {  	_ =	shalt  }
0x86: {  	_ =	shalt  }
0x87: {  	_ =	shalt  }
.Lfunc_end0:
.L_simem_size_0:
called_computation.2_lowered:
.L_overlay_start_0:
0x88: {  	s2 =	sld [smem:$0x3FD9]  }
0x89: {  	s3 =	sld [smem:$0x3FFE];
	_ =	sdelay $0x1  }
0x8a: {  	s1 =	srdreg.scid  }
0x8b: {  	s0 =	sand.u32 $0x1, s1  }
0x8c: {  	s16 =	sshll.u32 s0, $0xA;
	s2 =	sadd.s32 s3, s2  }
0x8d: {  	s2 =	sadd.s32 s2, s16  }
0x8e: {  	[smem:$0x3FBB] =	sst s2  }
0x8f: {  	_ = 	snop  }
0x90: {  	(tm) =	ssettm $0x1  }
0x91: {  	s17 =	sld [smem:$0x3FFB];
	_ =	sdelay $0x3  }
0x92: {  	_ =	strace s17  }
0x93: {  	s2 =	sld [smem:$0x3FFC];
	_ =	sdelay $0x3  }
0x94: {  	_ =	strace s2  }
0x95: {  	s2 =	sld [smem:$0x3FFD];
	_ =	sdelay $0x3  }
0x96: {  	_ =	strace s2  }
0x97: {  	_ =	strace $0x8FFFFFFF  }
0x98: {  	s18 =	sld [smem:$0x3FDB];
	_ =	sdelay $0x1  }
0x99: {  	s19 =	simm.s32 $_scs_section_size  }
0x9a: {  	s4 =	simm.s32 $_size__tile_overlayer_lowered;
	s5 =	simm.s32 $_tile_overlayer_lowered  }
0x9b: {  	s22 =	simm.s32 $0x1BFF;
	s21 =	sshll.u32 s5, $0x1;
	s2 =	sadd.s32 s19, s18  }
0x9c: {  	s6 =	simm.s32 $0x0;
	s20 =	sshll.u32 s4, $0x1;
	s4 =	sadd.s32 s21, s2  }
0x9d: {  	[timem:s6], [sflag:s22] =	dma.local [hbm:s4], s20  }
0x9e: {  	_ =	swait.ge [sflag:s22], s20  }
0x9f: {  	s3 =	ssub.s32 $0x0, s20;
	[sflag:s22] =	ssyncset.done $0x0  }
0xa0: {  	[sflag:s22] =	ssyncadd.s32 s3;
	_ =	sdelay $0x1  }
0xa1: {  	s23 =	simm.s32 $0x1B8B  }
0xa2: {  	_ =	swait.ge [sflag:s23], $0x1  }
0xa3: {  	[sflag:s23] =	ssyncset.done $0x0  }
0xa4: {  	s25 =	simm.s32 $0x1B8E;
	s24 =	sld [smem:$0x3FFE];
	[sflag:s23] =	ssyncadd.s32 $0xFFFFFFFF  }
0xa5: {  	s26 =	simm.s32 $execute0_lowered;
	[smem:$0x3FD2] =	sst s25  }
0xa6: {  	s4 =	sshll.u32 s26, $0x1;
	_ =	strace $0x8000004C;
	[dreg:$0x1] =	wrdreg $0xFFFFFFFF  }
0xa7: {  	s28 =	simm.s32 $_size_execute0_lowered;
	s2 =	sadd.s32 s2, s4;
	[dreg:$0x0] =	wrdreg $0x0  }
0xa8: {  	s4 =	sshll.u32 s28, $0x1;
	[dreg:$0x2] =	wrdreg s2  }
0xa9: {  	[dreg:$0x3] =	wrdreg s4  }
0xaa: {  	[dreg:$0x4] =	wrdreg $0xC0  }
0xab: {  	_ =	task [dreg:s6], $0x5FFFF  }
0xac: {  	[dreg:$0x1] =	wrdreg $0xFFFFFFFF  }
0xad: {  	[dreg:$0x0] =	wrdreg $0x60  }
0xae: {  	[dreg:$0x2] =	wrdreg s24  }
0xaf: {  	[dreg:$0x3] =	wrdreg $0x8E800  }
0xb0: {  	[dreg:$0x4] =	wrdreg $0x9  }
0xb1: {  	_ =	task.clear_ibuf [dreg:s6], $0x5FFFF;
	_ =	strace $0x9000004C  }
0xb2: {  	s29 =	simm.s32 $0x9;
	_ =	strace $0x8000004E  }
0xb3: {  	_ =	swait.ge [sflag:s29], $0x1  }
0xb4: {  	[sflag:s29] =	ssyncadd.s32 $0xFFFFFFFF  }
0xb5: {  	_ =	strace $0x9000004E  }
0xb6: {  	_ =	sfence  }
0xb7: {  	s30 =	sld [smem:$0x0];
	_ =	sdelay $0x2  }
0xb8: {  	s31 =	sshll.u32 s1, $0xD;
	s1 =	sshrl.u32 s1, $0x2  }
0xb9: {  	s3 =	sand.u32 $0x4000, s31;
	s1 =	sadd.s32 s1, s30  }
0xba: {  	s0 =	sor.u32 s3, s0;
	s1 =	sshll.u32 s1, $0x11  }
0xbb: {  	s0 =	sor.u32 s1, s0  }
0xbc: {  	s0 =	sadd.s32 $0x8F2B, s0  }
0xbd: {  	[sflag:s0] =	ssyncadd.remote.s32 $0x1  }
0xbe: {  	_ =	sfence.sel $0xFFFF  }
0xbf: {  	[dreg:$0x0] =	wrdreg $0xFFFFFFFF;
	(pc) =	sbr.abs _section_cstart, $3  }
0xc0: {  	[dreg:$0x1] =	wrdreg $0xFFFFFFFF  }
0xc1: {  	_ =	task.clear_ibuf [dreg:s6], $0x2FFFF;
	_ =	strace $0x9FFFFFFF  }
0xc2: {  	(tm) =	ssettm $0x7FFFFFFF  }
0xc3: {  	_ =	shalt  }
tec
execute0_lowered:
.L_overlay_start_1:
0x0: {  	(tag) =	ssettag $0x1  }
0x1: {  	s6 =	rddreg [dreg:$0x0]  }
0x2: {  	s0 =	srdreg.scid;
	s2 =	rddreg [dreg:$0x1];
	s3 =	simm.s32 $0x0  }
0x3: {  	s13 =	simm.s32 $0x2800;
	s14 =	simm.s32 $0x7D;
	s15 =	simm.s32 $0x5000  }
0x4: {  	s16 =	simm.s32 $0x80;
	s17 =	simm.s32 $0x6F40;
	s18 =	simm.s32 $0x1  }
0x5: {  	s19 =	simm.s32 $0x2;
	s20 =	simm.s32 $0x3;
	s21 =	simm.s32 $0x4  }
0x6: {  	s22 =	simm.s32 $0x4F00;
	s23 =	simm.s32 $0x4F80;
	s24 =	simm.s32 $0x0  }
0x7: {  	s5 =	sand.u32 $0x1, s0;
	s0 =	stileid.u32;
	[smem:$0x7FF] =	sst s3  }
0x8: {  	s4 =	sadd.s32 $0x17E00, s6;
	s1 =	sshll.u32 s5, $0x4;
	s8 =	smul.u32 $0x9C40, s0  }
0x9: {  	s9 =	smul.u32 $0x9C400, s5;
	s5 =	ssub.s32 $0x2, s5;
	s1 =	sor.u32 s0, s1  }
0xa: {  	s31 =	sshll.u32 s0, $0x6;
	s11 =	sshrl.u32 s5, $0x1;
	s7 =	smul.u32 $0x500, s1  }
0xb: {  	s1 =	rddreg [dreg:$0x2];
	_ =	strace $0x8000004D;
	s30 =	sshrl.u32 s8, $0x3  }
0xc: {  	s9 =	sadd.s32 s8, s9;
	s11 =	ssub.s32 s5, s11;
	s12 =	sadd.s32 s8, s2  }
0xd: {  	s9 =	sshrl.u32 s9, $0x3;
	s10 =	sadd.s32 s7, s6;
	s7 =	sadd.s32 s30, s6  }
0xe: {  	s9 =	sadd.s32 s9, s6;
	s6 =	sor.u32 $0x1C05, s31;
	s5 =	sadd.s32 $0x2B800, s7  }
0xf: {  	s7 =	sadd.s32 $0xDE00, s10;
	s8 =	sadd.s32 $0x3E00, s10;
	s9 =	sadd.s32 $0x3F200, s9  }
0x10: {  	s10 =	smax.u32 s11, $0x1;
	s11 =	sshrl.u32 s12, $0x3;
	s12 =	simm.s32 $0x5  }
.LBB2_1:
0x11: {  	[spmem:s11], [sflag:s6] =	dma.local [hbm:s5], $0x1388  }
0x12: {  	_ =	swait.ge [sflag:s12], $0x1388  }
0x13: {  	[sflag:s12] =	ssyncset.done $0x0  }
0x14: {  	[sflag:s12] =	ssyncadd.s32 $0xFFFFEC78  }
0x15: {  	[tilespmem:s3], [sflag:$0x5] =	stream.linear.gather [hbm4b:s7+s3], $0x2800, $0x38;
	[tilespmem:$0x12AC0] =	vst v63  }
0x16: {  	_ =	swait.ge [sflag:s12], $0x2800  }
0x17: {  	[sflag:s12] =	ssyncset.done $0x0  }
0x18: {  	[sflag:s12] =	ssyncadd.s32 $0xFFFFD800  }
0x19: {  	[tilespmem:s13], [sflag:$0x5] =	stream.linear.gather [hbm4b:s8+s3], $0x2800, $0x38;
	[tilespmem:$0x12AC0] =	vst v63  }
0x1a: {  	_ =	swait.ge [sflag:s12], $0x2800  }
0x1b: {  	[sflag:s12] =	ssyncset.done $0x0  }
0x1c: {  	[sflag:s12] =	ssyncadd.s32 $0xFFFFD800  }
0x1d: {  	[bflag:$0x0] =	sbarrier.arrive $0xFFFF  }
0x1e: {  	[tilespmem:s15], [sflag:$0x1] =	stream.indirect.gather [hbm4b:s4+s14], $0x40, s3, s14, $0xb8;
	[tilespmem:$0x12AC0] =	vst v63  }
0x1f: {  	_ = 	snop  }
0x20: {  	[tilespmem:s17], [sflag:$0x2] =	stream.indirect.gather [hbm4b:s4+s14], $0x40, s16, s14, $0xb8;
	[tilespmem:$0x12AC0] =	vst v63  }
0x21: {  	_ =	swait.ge [sflag:s18], $0x1F40  }
0x22: {  	[sflag:s18] =	ssyncset.done $0x0  }
0x23: {  	s25 =	simm.s32 $0x2800;
	[sflag:s18] =	ssyncadd.s32 $0xFFFFE0C0  }
0x24: {  	[spmem:s2] =	stream.indirect.scatter.add.f32 [tilespmem:s15], [sflag:$0x3], $0x40, s25, s14, $0xb8;
	[tilespmem:$0x12AC0] =	vst v63  }
0x25: {  	_ =	swait.ge [sflag:s19], $0x1F40  }
0x26: {  	[sflag:s19] =	ssyncset.done $0x0  }
0x27: {  	s30 =	simm.s32 $0x2880;
	[sflag:s19] =	ssyncadd.s32 $0xFFFFE0C0  }
0x28: {  	[spmem:s2] =	stream.indirect.scatter.add.f32 [tilespmem:s17], [sflag:$0x4], $0x40, s30, s14, $0xb8;
	[tilespmem:$0x12AC0] =	vst v63  }
0x29: {  	_ =	swait.ge [sflag:s20], $0x1F40  }
0x2a: {  	[sflag:s20] =	ssyncset.done $0x0  }
0x2b: {  	s31 =	simm.s32 $0x100;
	[sflag:s20] =	ssyncadd.s32 $0xFFFFE0C0  }
0x2c: {  	[tilespmem:s15], [sflag:$0x1] =	stream.indirect.gather [hbm4b:s4+s14], $0x40, s31, s14, $0xb8;
	[tilespmem:$0x12AC0] =	vst v63  }
0x2d: {  	_ =	swait.ge [sflag:s21], $0x1F40  }
0x2e: {  	[sflag:s21] =	ssyncset.done $0x0  }
0x2f: {  	s26 =	simm.s32 $0x180;
	s25 =	simm.s32 $0x400;
	[sflag:s21] =	ssyncadd.s32 $0xFFFFE0C0  }
.LBB2_2:
0x30: {  	[tilespmem:s17], [sflag:$0x2] =	stream.indirect.gather [hbm4b:s4+s14], $0x40, s26, s14, $0xb8;
	[tilespmem:$0x12AC0] =	vst v63  }
0x31: {  	s26 =	smov.u32 s25  }
0x32: {  	p0 =	sne.s32 s25, $0x9800;
	s25 =	sadd.s32 $0x400, s25;
	_ =	swait.ge [sflag:s18], $0x1F40  }
0x33: {  	s26 =	sshra.s32 s26, $0x2;
	[sflag:s18] =	ssyncset.done $0x0  }
0x34: {  	s28 =	sadd.s32 $0x2800, s26;
	[sflag:s18] =	ssyncadd.s32 $0xFFFFE0C0  }
0x35: {  	[spmem:s2] =	stream.indirect.scatter.add.f32 [tilespmem:s15], [sflag:$0x3], $0x40, s28, s14, $0xb8;
	[tilespmem:$0x12AC0] =	vst v63  }
0x36: {  	_ =	swait.ge [sflag:s19], $0x1F40  }
0x37: {  	[sflag:s19] =	ssyncset.done $0x0  }
0x38: {  	s28 =	sadd.s32 $0x2880, s26;
	[sflag:s19] =	ssyncadd.s32 $0xFFFFE0C0  }
0x39: {  	[spmem:s2] =	stream.indirect.scatter.add.f32 [tilespmem:s17], [sflag:$0x4], $0x40, s28, s14, $0xb8;
	[tilespmem:$0x12AC0] =	vst v63  }
0x3a: {  	_ =	swait.ge [sflag:s20], $0x1F40  }
0x3b: {  	[sflag:s20] =	ssyncset.done $0x0  }
.Ltmp0:
0x3c: {  	s28 =	sadd.s32 $0x100, s26;
	[sflag:s20] =	ssyncadd.s32 $0xFFFFE0C0;
	(pc) =	sbr.rel @p0 .LBB2_2-.Ltmp0, $4  }
0x3d: {  	[tilespmem:s15], [sflag:$0x1] =	stream.indirect.gather [hbm4b:s4+s14], $0x40, s28, s14, $0xb8;
	[tilespmem:$0x12AC0] =	vst v63  }
0x3e: {  	_ =	swait.ge [sflag:s21], $0x1F40  }
0x3f: {  	[sflag:s21] =	ssyncset.done $0x0  }
0x40: {  	s26 =	sadd.s32 $0x180, s26;
	[sflag:s21] =	ssyncadd.s32 $0xFFFFE0C0  }
0x41: {  	[tilespmem:s17], [sflag:$0x2] =	stream.indirect.gather [hbm4b:s4+s14], $0x40, s26, s14, $0xb8;
	[tilespmem:$0x12AC0] =	vst v63  }
0x42: {  	_ =	swait.ge [sflag:s18], $0x1F40  }
0x43: {  	[sflag:s18] =	ssyncset.done $0x0  }
0x44: {  	[sflag:s18] =	ssyncadd.s32 $0xFFFFE0C0  }
0x45: {  	[spmem:s2] =	stream.indirect.scatter.add.f32 [tilespmem:s15], [sflag:$0x3], $0x40, s22, s14, $0xb8;
	[tilespmem:$0x12AC0] =	vst v63  }
0x46: {  	_ =	swait.ge [sflag:s19], $0x1F40  }
0x47: {  	[sflag:s19] =	ssyncset.done $0x0  }
0x48: {  	[sflag:s19] =	ssyncadd.s32 $0xFFFFE0C0  }
0x49: {  	[spmem:s2] =	stream.indirect.scatter.add.f32 [tilespmem:s17], [sflag:$0x4], $0x40, s23, s14, $0xb8;
	[tilespmem:$0x12AC0] =	vst v63  }
0x4a: {  	_ =	swait.ge [sflag:s20], $0x1F40  }
0x4b: {  	[sflag:s20] =	ssyncset.done $0x0  }
0x4c: {  	[sflag:s20] =	ssyncadd.s32 $0xFFFFE0C0  }
0x4d: {  	_ =	swait.ge [sflag:s21], $0x1F40  }
0x4e: {  	s24 =	sadd.s32 $0x1, s24;
	[sflag:s21] =	ssyncset.done $0x0  }
0x4f: {  	p0 =	sne.s32 s24, s10;
	[sflag:s21] =	ssyncadd.s32 $0xFFFFE0C0  }
.Ltmp1:
0x50: {  	[bflag:$0x0] =	sbarrier.arrive $0xFFFF;
	(pc) =	sbr.rel @p0 .LBB2_1-.Ltmp1, $4  }
0x51: {  	[hbm:s9], [sflag:s6] =	dma.local [spmem:s11], $0x1388  }
0x52: {  	_ =	swait.ge [sflag:s12], $0x1388  }
0x53: {  	[sflag:s12] =	ssyncset.done $0x0  }
0x54: {  	[sflag:s12] =	ssyncadd.s32 $0xFFFFEC78  }
0x55: {  	_ =	sfence.sel $0x180000  }
0x56: {  	[bflag:$0x0] =	sbarrier.arrive $0xFFFF  }
0x57: {  	p0 =	sne.s32 s0, $0x0;
	_ =	strace $0x9000004D  }
0x58: {  	s0 =	sadd.s32 @!p0 $0x100000, s1;
	[bflag:$0x2] =	sbarrier.arrive $0xFFFF  }
0x59: {  	[sflag:s0] =	ssyncadd.tile.s32 @!p0 $0x1;
	_ =	shalt  }
.Lfunc_end2:
_tile_overlayer_lowered:
.L_overlay_start_2:
0x5a: {  	(tag) =	ssettag $0x2  }
0x5b: {  	s0 =	rddreg [dreg:$0x0];
	s2 =	stileid.u32  }
0x5c: {  	s1 =	rddreg [dreg:$0x1];
	p0 =	sne.s32 s2, $0x0  }
0x5d: {  	s3 =	rddreg [dreg:$0x2];
	[bflag:$0x3] =	sbarrier.arrive $0xFFFF;
	s2 =	simm.s32 @!p0 $0x1C05  }
0x5e: {  	[timem:s3], [sflag:s2] =	dma.local @!p0 [hbm:s0], s1  }
0x5f: {  	s0 =	simm.s32 @!p0 $0x5  }
0x60: {  	_ =	swait.ge @!p0 [sflag:s0], s1  }
0x61: {  	s1 =	ssub.s32 @!p0 $0x0, s1;
	[sflag:s0] =	ssyncset.done @!p0 $0x0  }
0x62: {  	[sflag:s0] =	ssyncadd.s32 @!p0 s1  }
0x63: {  	[bflag:$0x3] =	sbarrier.arrive $0xFFFF  }
0x64: {  	_ =	shalt  }

// kernel: gcn_select.3.cloned.1.call-start
scs
__scs_entry_jumppad:
0x0: {  	(pc) =	sbr.rel $0x88, $3  }
0x1: {  	(tag) =	ssettag $0x0;
	lr =	simm.s32 $0x1  }
0x2: {  	[smem:$0x3F94] =	sst lr;
	_ =	strace $0xD0000000  }
0x3: {  	_ = 	snop  }
0x4: {  	_ = 	snop  }
0x5: {  	_ = 	snop  }
0x6: {  	_ = 	snop  }
0x7: {  	_ = 	snop  }
__scs_overlays_trampoline_lowered:
0x8: {  	[smem:$0x3FA3] =	sst s0  }
0x9: {  	[smem:$0x3FA4] =	sst s1  }
0xa: {  	[smem:$0x3FA5] =	sst s2  }
0xb: {  	[smem:$0x3FA6] =	sst s3  }
0xc: {  	[smem:$0x3FA7] =	sst s4  }
0xd: {  	[smem:$0x3FA8] =	sst s5  }
0xe: {  	[smem:$0x3FA9] =	sst s6  }
0xf: {  	[smem:$0x3FAA] =	sst s7  }
0x10: {  	[smem:$0x3FAB] =	sst s8  }
0x11: {  	[smem:$0x3FAC] =	sst s9;
	s0 =	simm.s32 @!p0 $0x0  }
0x12: {  	s1 =	sld [smem:$0x3F92];
	s0 =	simm.s32 @p0 $0x1  }
0x13: {  	[smem:$0x3FAD] =	sst s0;
	s0 =	simm.s32 @!p1 $0x0  }
0x14: {  	s2 =	sld [smem:$0x3F91];
	s0 =	simm.s32 @p1 $0x1  }
0x15: {  	[smem:$0x3FAE] =	sst s0;
	s0 =	simm.s32 @!p2 $0x0  }
0x16: {  	s3 =	sld [smem:$0x3FDB];
	s0 =	simm.s32 @p2 $0x1  }
0x17: {  	s4 =	simm.s32 $0x1BF5;
	[smem:$0x3FB0] =	sst s0  }
0x18: {  	s0 =	sld [smem:$0x3F93];
	_ =	swait.ge [sflag:s4], $0x0  }
0x19: {  	s7 =	sld [smem:$0x3F94]  }
0x1a: {  	s8 =	sadd.s32 $0xFFFFE003, lr  }
0x1b: {  	s9 =	sadd.s32 $0xFFFFFEF7, lr;
	s5 =	simm.s32 $0xFFFFFFFF;
	p2 =	slt.u32 s8, $0xFFFFF086  }
0x1c: {  	p1 =	slt.u32 s9, $0xF7A;
	s5 =	simm.s32 @!p2 $0x0  }
0x1d: {  	s5 =	simm.s32 @p1 $0x1;
	p0 =	seq.s32 s7, s2  }
0x1e: {  	s7 =	smul.u32 @!p0 $0xF7A, s2;
	p2 =	seq.s32 @!p0 s5, $0x0  }
0x1f: {  	s9 =	smul.u32 $0xF7A, s1;
	s8 =	simm.s32 @!p0 $0x1BF5;
	p2 =	por !p2, p0  }
0x20: {  	[sflag:s8] =	ssyncset.s32 @!p0 $0xFFFFF086;
	s6 =	sadd.s32 @!p0 s3, s7;
	s7 =	simm.s32 @!p0 $0x108  }
0x21: {  	s3 =	sadd.s32 s3, s9;
	s6 =	sadd.s32 @!p0 $0x88, s6;
	s7 =	simm.s32 @p2 $0x1082  }
0x22: {  	[simem:s7], [sflag:s8] =	dma.local @!p0 [hbm:s6], $0xF7A  }
0x23: {  	s9 =	sor.u32 $0xD0000000, s2;
	s6 =	simm.s32 $0x108;
	_ =	swait.ge @!p0 [sflag:s8], $0x0  }
0x24: {  	s3 =	sadd.s32 $0x88, s3;
	s6 =	simm.s32 @!p1 $0x1082;
	[sflag:s4] =	ssyncset.s32 $0xFFFFF086  }
0x25: {  	[simem:s6], [sflag:s4] =	dma.local [hbm:s3], $0xF7A  }
0x26: {  	[smem:$0x3F94] =	sst s1;
	(tag) =	ssettag s2;
	_ =	strace s9  }
0x27: {  	s1 =	sld [smem:$0x3FA4]  }
0x28: {  	s2 =	sld [smem:$0x3FA5]  }
0x29: {  	s4 =	sld [smem:$0x3FA7]  }
0x2a: {  	p0 =	seq.s32 s5, $0x0;
	s5 =	sld [smem:$0x3FA8]  }
0x2b: {  	s6 =	sld [smem:$0x3FA9]  }
0x2c: {  	s7 =	sld [smem:$0x3FAA]  }
0x2d: {  	s3 =	simm.s32 $0x108;
	s8 =	sld [smem:$0x3FAB]  }
0x2e: {  	s3 =	simm.s32 @!p0 $0x1082;
	s9 =	sld [smem:$0x3FAC]  }
0x2f: {  	lr =	sadd.s32 s0, s3;
	s0 =	sld [smem:$0x3FA3]  }
0x30: {  	s3 =	sld [smem:$0x3FA6]  }
0x31: {  	[smem:$0x3FAF] =	sst s10  }
0x32: {  	s10 =	sld [smem:$0x3FAD];
	_ =	sdelay $0x3  }
0x33: {  	p0 =	seq.s32 s10, $0x1;
	s10 =	sld [smem:$0x3FAF];
	_ =	sdelay $0x3  }
0x34: {  	[smem:$0x3FAF] =	sst s10  }
0x35: {  	s10 =	sld [smem:$0x3FAE];
	_ =	sdelay $0x3  }
0x36: {  	p1 =	seq.s32 s10, $0x1;
	s10 =	sld [smem:$0x3FAF];
	_ =	sdelay $0x3  }
0x37: {  	[smem:$0x3FAF] =	sst s10  }
0x38: {  	s10 =	sld [smem:$0x3FB0]  }
0x39: {  	_ = 	snop;
	(pc) =	sbr.ind lr, $3  }
0x3a: {  	_ = 	snop  }
0x3b: {  	_ = 	snop  }
0x3c: {  	p2 =	seq.s32 s10, $0x1;
	s10 =	sld [smem:$0x3FAF]  }
0x3d: {  	_ =	shalt  }
0x3e: {  	_ =	shalt  }
0x3f: {  	_ =	shalt  }
0x40: {  	_ =	shalt  }
0x41: {  	_ =	shalt  }
0x42: {  	_ =	shalt  }
0x43: {  	_ =	shalt  }
0x44: {  	_ =	shalt  }
0x45: {  	_ =	shalt  }
0x46: {  	_ =	shalt  }
0x47: {  	_ =	shalt  }
0x48: {  	_ =	shalt  }
0x49: {  	_ =	shalt  }
0x4a: {  	_ =	shalt  }
0x4b: {  	_ =	shalt  }
0x4c: {  	_ =	shalt  }
0x4d: {  	_ =	shalt  }
0x4e: {  	_ =	shalt  }
0x4f: {  	_ =	shalt  }
0x50: {  	_ =	shalt  }
0x51: {  	_ =	shalt  }
0x52: {  	_ =	shalt  }
0x53: {  	_ =	shalt  }
0x54: {  	_ =	shalt  }
0x55: {  	_ =	shalt  }
0x56: {  	_ =	shalt  }
0x57: {  	_ =	shalt  }
0x58: {  	_ =	shalt  }
0x59: {  	_ =	shalt  }
0x5a: {  	_ =	shalt  }
0x5b: {  	_ =	shalt  }
0x5c: {  	_ =	shalt  }
0x5d: {  	_ =	shalt  }
0x5e: {  	_ =	shalt  }
0x5f: {  	_ =	shalt  }
0x60: {  	_ =	shalt  }
0x61: {  	_ =	shalt  }
0x62: {  	_ =	shalt  }
0x63: {  	_ =	shalt  }
0x64: {  	_ =	shalt  }
0x65: {  	_ =	shalt  }
0x66: {  	_ =	shalt  }
0x67: {  	_ =	shalt  }
0x68: {  	_ =	shalt  }
0x69: {  	_ =	shalt  }
0x6a: {  	_ =	shalt  }
0x6b: {  	_ =	shalt  }
0x6c: {  	_ =	shalt  }
0x6d: {  	_ =	shalt  }
0x6e: {  	_ =	shalt  }
0x6f: {  	_ =	shalt  }
0x70: {  	_ =	shalt  }
0x71: {  	_ =	shalt  }
0x72: {  	_ =	shalt  }
0x73: {  	_ =	shalt  }
0x74: {  	_ =	shalt  }
0x75: {  	_ =	shalt  }
0x76: {  	_ =	shalt  }
0x77: {  	_ =	shalt  }
0x78: {  	_ =	shalt  }
0x79: {  	_ =	shalt  }
0x7a: {  	_ =	shalt  }
0x7b: {  	_ =	shalt  }
0x7c: {  	_ =	shalt  }
0x7d: {  	_ =	shalt  }
0x7e: {  	_ =	shalt  }
0x7f: {  	_ =	shalt  }
0x80: {  	_ =	shalt  }
0x81: {  	_ =	shalt  }
0x82: {  	_ =	shalt  }
0x83: {  	_ =	shalt  }
0x84: {  	_ =	shalt  }
0x85: {  	_ =	shalt  }
0x86: {  	_ =	shalt  }
0x87: {  	_ =	shalt  }
.Lfunc_end0:
.L_simem_size_0:
called_computation.3_lowered:
.L_overlay_start_0:
0x88: {  	s2 =	sld [smem:$0x3FD9]  }
0x89: {  	s3 =	sld [smem:$0x3FFE];
	_ =	sdelay $0x1  }
0x8a: {  	s1 =	srdreg.scid  }
0x8b: {  	s0 =	sand.u32 $0x1, s1  }
0x8c: {  	s14 =	sshll.u32 s0, $0xA;
	s2 =	sadd.s32 s3, s2  }
0x8d: {  	s2 =	sadd.s32 s2, s14  }
0x8e: {  	[smem:$0x3FBB] =	sst s2  }
0x8f: {  	_ = 	snop  }
0x90: {  	s2 =	sld [smem:$0x3FD0];
	_ =	sdelay $0x2  }
0x91: {  	s4 =	simm.s32 $0xA;
	s5 =	simm.s32 $0x10;
	s15 =	sld [smem:$0x3FC7]  }
0x92: {  	[smem:s5], [sflag:s4] =	dma.local [hbm:s2], $0x1  }
0x93: {  	_ =	swait.eq [sflag:s4], $0x1  }
0x94: {  	[sflag:s4] =	ssyncset.done $0x0  }
0x95: {  	[sflag:s4] =	ssyncadd.s32 $0xFFFFFFFF  }
0x96: {  	s16 =	sld [smem:$0x10];
	(tm) =	ssettm $0x1  }
0x97: {  	s17 =	sld [smem:$0x3FFB];
	_ =	sdelay $0x3  }
0x98: {  	_ =	strace s17  }
0x99: {  	s4 =	sld [smem:$0x3FFC];
	_ =	sdelay $0x3  }
0x9a: {  	_ =	strace s4  }
0x9b: {  	s4 =	sld [smem:$0x3FFD];
	_ =	sdelay $0x3  }
0x9c: {  	_ =	strace s4  }
0x9d: {  	_ =	strace $0x8FFFFFFF  }
0x9e: {  	s18 =	sld [smem:$0x3FDB];
	_ =	sdelay $0x1  }
0x9f: {  	s19 =	simm.s32 $_scs_section_size  }
0xa0: {  	s6 =	simm.s32 $_size__tile_overlayer_lowered;
	s7 =	simm.s32 $_tile_overlayer_lowered  }
0xa1: {  	s22 =	simm.s32 $0x1BFF;
	s21 =	sshll.u32 s7, $0x1;
	s4 =	sadd.s32 s19, s18  }
0xa2: {  	s8 =	simm.s32 $0x0;
	s20 =	sshll.u32 s6, $0x1;
	s6 =	sadd.s32 s21, s4  }
0xa3: {  	[timem:s8], [sflag:s22] =	dma.local [hbm:s6], s20  }
0xa4: {  	_ =	swait.ge [sflag:s22], s20  }
0xa5: {  	s5 =	ssub.s32 $0x0, s20;
	[sflag:s22] =	ssyncset.done $0x0  }
0xa6: {  	[sflag:s22] =	ssyncadd.s32 s5;
	_ =	sdelay $0x1  }
0xa7: {  	s23 =	simm.s32 $0x1B8B  }
0xa8: {  	_ =	swait.ge [sflag:s23], $0x1  }
0xa9: {  	[sflag:s23] =	ssyncset.done $0x0  }
0xaa: {  	s25 =	simm.s32 $0x1B8E;
	s24 =	sld [smem:$0x3FFE];
	[sflag:s23] =	ssyncadd.s32 $0xFFFFFFFF  }
0xab: {  	s26 =	simm.s32 $execute0_lowered;
	[smem:$0x3FD2] =	sst s25  }
0xac: {  	s6 =	sshll.u32 s26, $0x1;
	_ =	strace $0x8000004F;
	[dreg:$0x1] =	wrdreg $0xFFFFFFFF  }
0xad: {  	s28 =	simm.s32 $_size_execute0_lowered;
	s4 =	sadd.s32 s4, s6;
	[dreg:$0x0] =	wrdreg $0x0  }
0xae: {  	s6 =	sshll.u32 s28, $0x1;
	[dreg:$0x2] =	wrdreg s4  }
0xaf: {  	[dreg:$0x3] =	wrdreg s6  }
0xb0: {  	[dreg:$0x4] =	wrdreg $0xC0  }
0xb1: {  	_ =	task [dreg:s8], $0x5FFFF  }
0xb2: {  	[dreg:$0x1] =	wrdreg $0xFFFFFFFF  }
0xb3: {  	[dreg:$0x0] =	wrdreg $0x60  }
0xb4: {  	[dreg:$0x2] =	wrdreg s24  }
0xb5: {  	[dreg:$0x3] =	wrdreg s15  }
0xb6: {  	[dreg:$0x4] =	wrdreg s16  }
0xb7: {  	[dreg:$0x5] =	wrdreg $0x9  }
0xb8: {  	_ =	task.clear_ibuf [dreg:s8], $0x6FFFF;
	_ =	strace $0x9000004F  }
0xb9: {  	s29 =	simm.s32 $0x9;
	_ =	strace $0x80000051  }
0xba: {  	_ =	swait.ge [sflag:s29], $0x1  }
0xbb: {  	[sflag:s29] =	ssyncadd.s32 $0xFFFFFFFF  }
0xbc: {  	_ =	strace $0x90000051  }
0xbd: {  	_ =	sfence  }
0xbe: {  	s30 =	sld [smem:$0x0];
	_ =	sdelay $0x2  }
0xbf: {  	s31 =	sshll.u32 s1, $0xD;
	s1 =	sshrl.u32 s1, $0x2  }
0xc0: {  	s3 =	sand.u32 $0x4000, s31;
	s1 =	sadd.s32 s1, s30  }
0xc1: {  	s0 =	sor.u32 s3, s0;
	s1 =	sshll.u32 s1, $0x11  }
0xc2: {  	s0 =	sor.u32 s1, s0  }
0xc3: {  	s0 =	sadd.s32 $0x8F2B, s0  }
0xc4: {  	[sflag:s0] =	ssyncadd.remote.s32 $0x1  }
0xc5: {  	_ =	sfence.sel $0xFFFF  }
0xc6: {  	[dreg:$0x0] =	wrdreg $0xFFFFFFFF;
	(pc) =	sbr.abs _section_cstart, $3  }
0xc7: {  	[dreg:$0x1] =	wrdreg $0xFFFFFFFF  }
0xc8: {  	_ =	task.clear_ibuf [dreg:s8], $0x2FFFF;
	_ =	strace $0x9FFFFFFF  }
0xc9: {  	(tm) =	ssettm $0x7FFFFFFF  }
tec
execute0_lowered:
.L_overlay_start_1:
0x0: {  	(tag) =	ssettag $0x1  }
0x1: {  	s5 =	rddreg [dreg:$0x0]  }
0x2: {  	s1 =	srdreg.scid;
	s3 =	rddreg [dreg:$0x1]  }
0x3: {  	s0 =	stileid.u32;
	s8 =	rddreg [dreg:$0x2];
	s6 =	sand.u32 $0x1, s1  }
0x4: {  	s2 =	simm.s32 $0x0;
	s7 =	sshll.u32 s0, $0x5;
	s4 =	sshll.u32 s6, $0x9  }
0x5: {  	[smem:$0x7FF] =	sst s2;
	s9 =	sor.u32 s7, s4  }
0x6: {  	s1 =	rddreg [dreg:$0x3];
	_ =	strace $0x80000050;
	s4 =	sshrl.u32 s9, $0x3  }
0x7: {  	s10 =	ssub.s32 $0x2, s6;
	s4 =	sadd.s32 s3, s4;
	s3 =	simm.s32 $0x2  }
0x8: {  	[tilespmem:s2], [sflag:$0x2] =	stream.linear.gather [hbm4b:s4+s2], $0x20, $0x38;
	[tilespmem:$0x820] =	vst v63  }
0x9: {  	s5 =	sadd.s32 $0x3E00, s5;
	s11 =	sshrl.u32 s10, $0x1;
	_ =	swait.ge [sflag:s3], $0x20  }
0xa: {  	s6 =	simm.s32 $0x20;
	s10 =	ssub.s32 s10, s11;
	[sflag:s3] =	ssyncset.done $0x0  }
0xb: {  	s7 =	simm.s32 $0x1;
	s31 =	smax.u32 s10, $0x1;
	[sflag:s3] =	ssyncadd.s32 $0xFFFFFFE0  }
0xc: {  	[tilespmem:s6], [sflag:$0x1] =	stream.indirect.gather [hbm4b:s5+s6], $0x40, s2, s6, $0xb8;
	[tilespmem:$0x820] =	vst v63  }
0xd: {  	p0 =	sne.s32 s31, $0x1;
	_ =	swait.ge [sflag:s7], $0x800  }
.Ltmp0:
0xe: {  	s9 =	sshll.u32 s9, $0x3;
	[sflag:s7] =	ssyncset.done $0x0;
	(pc) =	sbr.rel @!p0 .LBB2_2-.Ltmp0, $4  }
0xf: {  	s8 =	sadd.s32 s8, s9;
	[sflag:s7] =	ssyncadd.s32 $0xFFFFF800  }
0x10: {  	[hbm4b:s8+s2] =	stream.linear.scatter [tilespmem:s6], [sflag:$0x2], $0x800, $0x38;
	[tilespmem:$0x820] =	vst v63  }
0x11: {  	_ =	swait.ge [sflag:s3], $0x800  }
0x12: {  	s9 =	sadd.s32 $0xFFFFFFFF, s31;
	[sflag:s3] =	ssyncset.done $0x0  }
.LBB2_1:
0x13: {  	p0 =	sne.s32 s9, $0x1;
	s9 =	sadd.s32 $0xFFFFFFFF, s9;
	[sflag:s3] =	ssyncadd.s32 $0xFFFFF800  }
0x14: {  	[tilespmem:s2], [sflag:$0x2] =	stream.linear.gather [hbm4b:s4+s2], $0x20, $0x38;
	[tilespmem:$0x820] =	vst v63  }
0x15: {  	_ =	swait.ge [sflag:s3], $0x20  }
0x16: {  	[sflag:s3] =	ssyncset.done $0x0  }
0x17: {  	[sflag:s3] =	ssyncadd.s32 $0xFFFFFFE0  }
0x18: {  	[tilespmem:s6], [sflag:$0x1] =	stream.indirect.gather [hbm4b:s5+s6], $0x40, s2, s6, $0xb8;
	[tilespmem:$0x820] =	vst v63  }
0x19: {  	_ =	swait.ge [sflag:s7], $0x800  }
.Ltmp1:
0x1a: {  	[sflag:s7] =	ssyncset.done $0x0;
	(pc) =	sbr.rel @p0 .LBB2_1-.Ltmp1, $4  }
0x1b: {  	[sflag:s7] =	ssyncadd.s32 $0xFFFFF800  }
0x1c: {  	[hbm4b:s8+s2] =	stream.linear.scatter [tilespmem:s6], [sflag:$0x2], $0x800, $0x38;
	[tilespmem:$0x820] =	vst v63  }
0x1d: {  	_ =	swait.ge [sflag:s3], $0x800  }
0x1e: {  	[sflag:s3] =	ssyncset.done $0x0  }
.LBB2_2:
0x1f: {  	[sflag:s3] =	ssyncadd.s32 $0xFFFFF800  }
0x20: {  	_ =	sfence.sel $0x180000  }
0x21: {  	[bflag:$0x0] =	sbarrier.arrive $0xFFFF  }
0x22: {  	p0 =	sne.s32 s0, $0x0;
	_ =	strace $0x90000050  }
0x23: {  	s0 =	sadd.s32 @!p0 $0x100000, s1;
	[bflag:$0x2] =	sbarrier.arrive $0xFFFF  }
0x24: {  	[sflag:s0] =	ssyncadd.tile.s32 @!p0 $0x1;
	_ =	shalt  }
.Lfunc_end2:
_tile_overlayer_lowered:
.L_overlay_start_2:
0x25: {  	(tag) =	ssettag $0x2  }
0x26: {  	s0 =	rddreg [dreg:$0x0];
	s2 =	stileid.u32  }
0x27: {  	s1 =	rddreg [dreg:$0x1];
	p0 =	sne.s32 s2, $0x0  }
0x28: {  	s3 =	rddreg [dreg:$0x2];
	[bflag:$0x3] =	sbarrier.arrive $0xFFFF;
	s2 =	simm.s32 @!p0 $0x1C02  }
0x29: {  	[timem:s3], [sflag:s2] =	dma.local @!p0 [hbm:s0], s1  }
0x2a: {  	s0 =	simm.s32 @!p0 $0x2  }
0x2b: {  	_ =	swait.ge @!p0 [sflag:s0], s1  }
0x2c: {  	s1 =	ssub.s32 @!p0 $0x0, s1;
	[sflag:s0] =	ssyncset.done @!p0 $0x0  }
0x2d: {  	[sflag:s0] =	ssyncadd.s32 @!p0 s1  }
0x2e: {  	[bflag:$0x3] =	sbarrier.arrive $0xFFFF  }
0x2f: {  	_ =	shalt  }

</sc_bundles>
